<compile_context>
chip_gen: v7x
topology: tpu7x:2x2x1
jax: 0.10.2.dev20260603
libtpu: 0.0.44.dev20260713+nightly
codegen_flags: <defaults>
</compile_context>

<pallas_src>
import functools

import jax
import jax.numpy as jnp
import numpy as np
from jax import lax
from jax.experimental import pallas as pl
from jax.experimental.pallas import tpu as pltpu
from jax.experimental.pallas import tpu_sc as plsc

N = 10000
B = 8
S = 2000
E = 160000
K = 512
NC = 10
G = 45 * 45

SPAD = 2048
EP = 163840
EPAD = 178176
NBLK = EPAD // 256
NG = EPAD // 8
DPAD = 16384
DBLK = DPAD // 256

_NWORK = 32
_EPW = EP // _NWORK
_NV = _EPW // 16
_NCH = _EPW // 128
_SPW = SPAD // _NWORK

_MESH = dict(core_axis_name="c", subcore_axis_name="s")


def _sc_hist(dstp, tbl16, idxp):
    mesh = plsc.VectorSubcoreMesh(**_MESH)

    @functools.partial(
        pl.kernel,
        out_type=(
            jax.ShapeDtypeStruct((_NWORK, SPAD), jnp.int32),
            jax.ShapeDtypeStruct((SPAD, 16), jnp.float32),
        ),
        mesh=mesh,
        scratch_types=[
            pltpu.VMEM((_EPW,), jnp.int32),
            pltpu.VMEM((16 * SPAD,), jnp.int32),
            pltpu.VMEM((SPAD,), jnp.int32),
            pltpu.VMEM((_SPW, 16), jnp.float32),
            pltpu.VMEM((_SPW,), jnp.int32),
            pltpu.SemaphoreType.DMA,
        ],
        compiler_params=pltpu.CompilerParams(use_tc_tiling_on_sc=False, needs_layout_passes=False),
    )
    def k(dst_hbm, tbl_hbm, idxp_hbm, hist_hbm, poss_hbm,
          d_v, bank_v, tot_v, ps_v, pi_v, sem):
        wid = lax.axis_index("s") * 2 + lax.axis_index("c")
        base = wid * _EPW
        pltpu.sync_copy(dst_hbm.at[pl.ds(base, _EPW)], d_v)
        zero16 = jnp.zeros((16,), jnp.int32)

        def mz(i, c):
            bank_v[pl.ds(i * 16, 16)] = zero16
            return c

        lax.fori_loop(0, SPAD, mz, 0)
        lanes = lax.iota(jnp.int32, 16) * SPAD

        def acc(i, c):
            d = d_v[pl.ds(i * 16, 16)]
            addr = lanes + d
            old = plsc.load_gather(bank_v, [addr])
            plsc.store_scatter(bank_v, [addr], old + 1)
            return c

        lax.fori_loop(0, _NV, acc, 0)

        def red(j, c):
            sacc = jnp.zeros((16,), jnp.int32)
            for l in range(16):
                sacc = sacc + bank_v[pl.ds(l * SPAD + j * 16, 16)]
            tot_v[pl.ds(j * 16, 16)] = sacc
            return c

        lax.fori_loop(0, SPAD // 16, red, 0)
        pltpu.sync_copy(tot_v, hist_hbm.at[wid])

        sbase = wid * _SPW
        pltpu.sync_copy(idxp_hbm.at[pl.ds(sbase, _SPW)], pi_v)
        pltpu.async_copy(tbl_hbm.at[pi_v], ps_v, sem).wait()
        pltpu.sync_copy(ps_v, poss_hbm.at[pl.ds(sbase, _SPW), :])

    return k(dstp, tbl16, idxp)


def _sc_permute(dstp, srcp, tbase, tbl16, idxp):
    mesh = plsc.VectorSubcoreMesh(**_MESH)

    @functools.partial(
        pl.kernel,
        out_type=(
            jax.ShapeDtypeStruct((EPAD, 16), jnp.float32),
            jax.ShapeDtypeStruct((EPAD, 16), jnp.float32),
        ),
        mesh=mesh,
        scratch_types=[
            pltpu.VMEM((_EPW,), jnp.int32),
            pltpu.VMEM((_EPW,), jnp.int32),
            pltpu.VMEM((_EPW,), jnp.int32),
            pltpu.VMEM((_NCH, 128), jnp.int32),
            pltpu.VMEM((SPAD,), jnp.int32),
            pltpu.VMEM((SPAD,), jnp.int32),
            pltpu.VMEM((48,), jnp.int32),
            pltpu.VMEM((_EPW, 16), jnp.float32),
            pltpu.SemaphoreType.DMA,
        ],
        compiler_params=pltpu.CompilerParams(use_tc_tiling_on_sc=False, needs_layout_passes=False),
    )
    def k(dst_hbm, src_hbm, tb_hbm, tbl_hbm, idxp_hbm, a_hbm, b_hbm,
          d_v, s_v, c_v, slot_v, next_v, idx_v, sh_v, rows_v, sem):
        wid = lax.axis_index("s") * 2 + lax.axis_index("c")
        base = wid * _EPW
        pltpu.sync_copy(dst_hbm.at[pl.ds(base, _EPW)], d_v)
        pltpu.sync_copy(src_hbm.at[pl.ds(base, _EPW)], s_v)
        pltpu.sync_copy(tb_hbm.at[wid], next_v)
        pltpu.sync_copy(idxp_hbm, idx_v)
        neg16 = jnp.full((16,), -1, jnp.int32)
        sh_v[pl.ds(0, 16)] = neg16
        sh_v[pl.ds(32, 16)] = neg16
        pos = lax.iota(jnp.int32, 16)

        def vstep(i, c):
            d = d_v[pl.ds(i * 16, 16)]
            c_v[pl.ds(i * 16, 16)] = plsc.load_gather(idx_v, [d])
            sd, sl = plsc.sort_key_val(d, pos)
            sh_v[pl.ds(16, 16)] = sd
            prev = sh_v[pl.ds(15, 16)]
            nxt = sh_v[pl.ds(17, 16)]
            head = sd != prev
            tail = sd != nxt
            hp = plsc.cummax(jnp.where(head, pos, 0))
            r = pos - hp
            old = plsc.load_gather(next_v, [sd])
            plsc.store_scatter(next_v, [sd], old + r + 1, mask=tail)
            ch = i // 8
            kk = i % 8
            plsc.store_scatter(
                slot_v, [jnp.full((16,), ch, jnp.int32), kk * 16 + sl],
                old + r)
            return c

        lax.fori_loop(0, _NV, vstep, 0)

        def pump(ids_v, out_hbm):
            def fireg(ci, c):
                off = ci * 128
                pltpu.async_copy(tbl_hbm.at[ids_v.at[pl.ds(off, 128)]],
                                 rows_v.at[pl.ds(off, 128), :], sem)
                return c

            lax.fori_loop(0, _NCH, fireg, 0)
            pltpu.make_async_copy(
                tbl_hbm.at[pl.ds(0, _EPW), :], rows_v, sem).wait()

            def fires(ci, c):
                off = ci * 128
                pltpu.async_copy(rows_v.at[pl.ds(off, 128), :],
                                 out_hbm.at[slot_v.at[ci]], sem)
                return c

            lax.fori_loop(0, _NCH, fires, 0)
            pltpu.make_async_copy(
                out_hbm.at[pl.ds(0, _EPW), :], rows_v, sem).wait()

        pump(s_v, a_hbm)
        pump(c_v, b_hbm)

    return k(dstp, srcp, tbase, tbl16, idxp)


def _group_meta(poff8f, e0f, e1f, e2f):
    def body(po_ref, e0_ref, e1_ref, e2_ref, gs_ref, vc_ref):
        i = pl.program_id(0)
        po = po_ref[...]
        g8 = ((lax.broadcasted_iota(jnp.int32, (256, 1), 0)
               + i * 256) * 8).astype(jnp.float32)
        cmp = jnp.where(po <= g8, 1.0, 0.0)
        gseg = jnp.sum(cmp, axis=1, keepdims=True) - 1.0
        segid = lax.broadcasted_iota(jnp.int32, (1, SPAD), 1).astype(jnp.float32)
        oh = jnp.where(segid == gseg, 1.0, 0.0)
        d0 = jnp.dot(oh, e0_ref[...], preferred_element_type=jnp.float32)
        d1 = jnp.dot(oh, e1_ref[...], preferred_element_type=jnp.float32)
        d2 = jnp.dot(oh, e2_ref[...], preferred_element_type=jnp.float32)
        endsel = (d2 * 128.0 + d1) * 128.0 + d0
        gs_ref[...] = gseg.astype(jnp.int32)[None]
        vc_ref[...] = jnp.clip(endsel - g8, 0.0, 8.0)[None]

    ngb = NG // 256
    return pl.pallas_call(
        body,
        grid=(ngb,),
        in_specs=[
            pl.BlockSpec((1, SPAD), lambda i: (0, 0)),
            pl.BlockSpec((SPAD, 1), lambda i: (0, 0)),
            pl.BlockSpec((SPAD, 1), lambda i: (0, 0)),
            pl.BlockSpec((SPAD, 1), lambda i: (0, 0)),
        ],
        out_specs=(
            pl.BlockSpec((1, 256, 1), lambda i: (i, 0, 0)),
            pl.BlockSpec((1, 256, 1), lambda i: (i, 0, 0)),
        ),
        out_shape=(
            jax.ShapeDtypeStruct((ngb, 256, 1), jnp.int32),
            jax.ShapeDtypeStruct((ngb, 256, 1), jnp.float32),
        ),
    )(poff8f, e0f, e1f, e2f)


BROW = 1024
BGRP = BROW // 8


def _mlp_segmax(a, b, vrow, gkeys, w1, b1, w2, b2, w3, b3):
    def body(keys_ref, a_ref, b_ref, v_ref, w1_ref, b1_ref, w2_ref, b2_ref,
             w3_ref, b3_ref, out_ref, gm_ref, ac0, ac1, ac2, ac3):
        i = pl.program_id(0)
        accs = (ac0, ac1, ac2, ac3)

        @pl.when(i == 0)
        def _init():
            for acc in accs:
                acc[...] = jnp.full((SPAD, 512), -jnp.inf, jnp.float32)

        msg = a_ref[...] - b_ref[...]
        h = jnp.dot(msg, w1_ref[...], preferred_element_type=jnp.float32)
        h = h + b1_ref[...]
        h = jnp.where(h > 0, h, 0.2 * h)
        h = jnp.dot(h, w2_ref[...], preferred_element_type=jnp.float32)
        h = h + b2_ref[...]
        h = jnp.where(h > 0, h, 0.2 * h)
        z = jnp.dot(h, w3_ref[...], preferred_element_type=jnp.float32)
        z = z + b3_ref[...]
        z = jnp.where(z > 0, z, 0.2 * z)
        z3 = z.reshape(BGRP, 8, 512)
        l3 = lax.broadcasted_iota(jnp.int32, (BGRP, 8, 1), 1).astype(jnp.float32)
        vc3 = v_ref[...].reshape(BGRP, 1, 1)
        z3 = jnp.where(l3 < vc3, z3, -jnp.inf)
        gm_ref[...] = jnp.max(z3, axis=1)

        q = BGRP // 4

        def upd(j, carry):
            for qq in range(4):
                d = keys_ref[j + qq * q, 0]
                row = gm_ref[pl.ds(j + qq * q, 1), :]
                acc = accs[qq]
                acc[pl.ds(d, 1), :] = jnp.maximum(acc[pl.ds(d, 1), :], row)
            return carry

        lax.fori_loop(0, q, upd, 0)

        @pl.when(i == EPAD // BROW - 1)
        def _fin():
            out_ref[...] = jnp.maximum(
                jnp.maximum(accs[0][...], accs[1][...]),
                jnp.maximum(accs[2][...], accs[3][...]))

    return pl.pallas_call(
        body,
        grid=(EPAD // BROW,),
        in_specs=[
            pl.BlockSpec((BGRP, 1), lambda i: (i, 0),
                         memory_space=pltpu.SMEM),
            pl.BlockSpec((BROW, 16), lambda i: (i, 0)),
            pl.BlockSpec((BROW, 16), lambda i: (i, 0)),
            pl.BlockSpec((BGRP, 1), lambda i: (i, 0)),
            pl.BlockSpec((16, 64), lambda i: (0, 0)),
            pl.BlockSpec((1, 64), lambda i: (0, 0)),
            pl.BlockSpec((64, 128), lambda i: (0, 0)),
            pl.BlockSpec((1, 128), lambda i: (0, 0)),
            pl.BlockSpec((128, 512), lambda i: (0, 0)),
            pl.BlockSpec((1, 512), lambda i: (0, 0)),
        ],
        out_specs=pl.BlockSpec((SPAD, 512), lambda i: (0, 0)),
        out_shape=jax.ShapeDtypeStruct((SPAD, 512), jnp.float32),
        scratch_shapes=[pltpu.VMEM((BGRP, 512), jnp.float32),
                        pltpu.VMEM((SPAD, 512), jnp.float32),
                        pltpu.VMEM((SPAD, 512), jnp.float32),
                        pltpu.VMEM((SPAD, 512), jnp.float32),
                        pltpu.VMEM((SPAD, 512), jnp.float32)],
        compiler_params=pltpu.CompilerParams(
            dimension_semantics=("arbitrary",),
            vmem_limit_bytes=100 * 1024 * 1024),
    )(gkeys, a, b, vrow, w1, b1, w2, b2, w3, b3)


def _encode_select(aggraw, poss, ew1a, ew1b, eb1, ew2, eb2):
    def body(agg_ref, poss_ref, w1a_ref, w1b_ref, b1_ref, w2_ref, b2_ref,
             z_ref, mi_ref, is_ref, sb_ref):
        raw = agg_ref[...]
        agg = jnp.where(raw < -1e30, 0.0, raw)
        p16 = poss_ref[...]
        h2 = (jnp.dot(agg, w1a_ref[...], preferred_element_type=jnp.float32)
              + jnp.dot(p16, w1b_ref[...], preferred_element_type=jnp.float32)
              + b1_ref[...])
        h2 = jnp.where(h2 > 0, h2, 0.2 * h2)
        out = jnp.dot(h2, w2_ref[...], preferred_element_type=jnp.float32)
        out = out + b2_ref[...]
        mean = out[:, :512]
        lv = out[:, 512:]
        invstd = jnp.exp(-0.5 * lv)
        std = jnp.exp(0.5 * lv)
        mi_ref[...] = mean * invstd
        is_ref[...] = invstd
        score = jnp.mean(std, axis=1, keepdims=True)
        rowid = lax.broadcasted_iota(jnp.int32, (SPAD, 1), 0)
        bcol = p16[:, 3:4]
        valid = rowid < S
        for bb in range(B):
            act0 = jnp.logical_and(valid, bcol == float(bb))
            sb_ref[...] = jnp.where(act0, score, jnp.inf)

            def rnd(r, carry):
                nu, de = carry
                cur = sb_ref[...]
                m = jnp.min(cur)
                cand = jnp.where(cur == m, rowid, jnp.int32(2 ** 30))
                isel = jnp.min(cand)
                nu = nu + mi_ref[pl.ds(isel, 1), :]
                de = de + is_ref[pl.ds(isel, 1), :]
                sb_ref[pl.ds(isel, 1), :] = jnp.full((1, 1), jnp.inf,
                                                     jnp.float32)
                return nu, de

            nu, de = lax.fori_loop(
                0, NC, rnd,
                (jnp.zeros((1, 512), jnp.float32),
                 jnp.zeros((1, 512), jnp.float32)))
            z_ref[bb:bb + 1, :] = nu / de

    return pl.pallas_call(
        body,
        grid=(1,),
        in_specs=[
            pl.BlockSpec((SPAD, 512), lambda i: (0, 0)),
            pl.BlockSpec((SPAD, 16), lambda i: (0, 0)),
            pl.BlockSpec((512, 512), lambda i: (0, 0)),
            pl.BlockSpec((16, 512), lambda i: (0, 0)),
            pl.BlockSpec((1, 512), lambda i: (0, 0)),
            pl.BlockSpec((512, 1024), lambda i: (0, 0)),
            pl.BlockSpec((1, 1024), lambda i: (0, 0)),
        ],
        out_specs=pl.BlockSpec((8, 512), lambda i: (0, 0)),
        out_shape=jax.ShapeDtypeStruct((8, 512), jnp.float32),
        scratch_shapes=[
            pltpu.VMEM((SPAD, 512), jnp.float32),
            pltpu.VMEM((SPAD, 512), jnp.float32),
            pltpu.VMEM((SPAD, 1), jnp.float32),
        ],
        compiler_params=pltpu.CompilerParams(
            vmem_limit_bytes=100 * 1024 * 1024),
    )(aggraw, poss, ew1a, ew1b, eb1, ew2, eb2)


def _decode(z, gg, f1w1a, f1w1g, f1b1, f1w2, f1b2, f1w3p, f1b3p,
            f2w1a, f2w1b, f2b1, f2w2, f2b2, f2w3p, f2b3p):
    def body(z_ref, gg_ref, w1a, w1g, bb1, w12, b12, w13, b13,
             w2a, w2b, bb2, w22, b22, w23, b23, out_ref):
        zf = z_ref[...]
        gg_ = gg_ref[...]
        bcol = gg_[:, 3:4]
        code = jnp.zeros((256, 512), jnp.float32)
        for bb in range(B):
            code = jnp.where(bcol == float(bb), zf[bb:bb + 1, :], code)
        h = (jnp.dot(code, w1a[...], preferred_element_type=jnp.float32)
             + jnp.dot(gg_, w1g[...], preferred_element_type=jnp.float32)
             + bb1[...])
        h = jnp.maximum(h, 0.0)
        h = jnp.dot(h, w12[...], preferred_element_type=jnp.float32) + b12[...]
        h = jnp.maximum(h, 0.0)
        x1 = jnp.dot(h, w13[...], preferred_element_type=jnp.float32) + b13[...]
        h = (jnp.dot(code, w2a[...], preferred_element_type=jnp.float32)
             + jnp.dot(x1, w2b[...], preferred_element_type=jnp.float32)
             + bb2[...])
        h = jnp.maximum(h, 0.0)
        h = jnp.dot(h, w22[...], preferred_element_type=jnp.float32) + b22[...]
        h = jnp.maximum(h, 0.0)
        out_ref[...] = (jnp.dot(h, w23[...], preferred_element_type=jnp.float32)
                        + b23[...])

    wspec = lambda r, c: pl.BlockSpec((r, c), lambda i: (0, 0))
    return pl.pallas_call(
        body,
        grid=(DBLK,),
        in_specs=[
            pl.BlockSpec((8, 512), lambda i: (0, 0)),
            pl.BlockSpec((256, 16), lambda i: (i, 0)),
            wspec(512, 512), wspec(16, 512), wspec(1, 512),
            wspec(512, 512), wspec(1, 512),
            wspec(512, 16), wspec(1, 16),
            wspec(512, 512), wspec(16, 512), wspec(1, 512),
            wspec(512, 512), wspec(1, 512),
            wspec(512, 16), wspec(1, 16),
        ],
        out_specs=pl.BlockSpec((256, 16), lambda i: (i, 0)),
        out_shape=jax.ShapeDtypeStruct((DPAD, 16), jnp.float32),
        compiler_params=pltpu.CompilerParams(
            dimension_semantics=("arbitrary",)),
    )(z, gg, f1w1a, f1w1g, f1b1, f1w2, f1b2, f1w3p, f1b3p,
      f2w1a, f2w1b, f2b1, f2w2, f2b2, f2w3p, f2b3p)


def _np_grid16():
    g1, g2 = np.meshgrid(np.linspace(-0.3, 0.3, 45), np.linspace(-0.3, 0.3, 45))
    g = np.stack([g1.reshape(-1), g2.reshape(-1)], axis=-1).astype(np.float32)
    gg = np.zeros((DPAD, 16), np.float32)
    t = np.arange(DPAD)
    bcol = np.minimum(t // G, B - 1)
    gg[:B * G, 0:2] = np.tile(g, (B, 1))
    gg[:, 3] = bcol
    return gg


_GG16_NP = _np_grid16()


def kernel(pos, batch, idx, src, dst, lW1, lb1, lW2, lb2, lW3, lb3,
           eW1, eb1, eW2, eb2,
           f1W1, f1b1, f1W2, f1b2, f1W3, f1b3,
           f2W1, f2b1, f2W2, f2b2, f2W3, f2b3):
    i32 = jnp.int32
    dstp = jnp.concatenate([dst.astype(i32),
                            jnp.full((EP - E,), SPAD - 1, i32)])
    srcp = jnp.concatenate([src.astype(i32), jnp.zeros((EP - E,), i32)])
    idxp = jnp.concatenate([idx.astype(i32), jnp.zeros((SPAD - S,), i32)])
    tbl16 = jnp.concatenate(
        [pos, batch.astype(jnp.float32)[:, None],
         jnp.zeros((N, 12), jnp.float32)], axis=1)

    hists, poss = _sc_hist(dstp, tbl16, idxp)

    counts = jnp.sum(hists, axis=0)
    pc8 = (counts + 7) // 8 * 8
    csum = jnp.cumsum(pc8)
    poff8 = jnp.concatenate([jnp.zeros((1,), i32), csum[:-1]])
    tbase = poff8[None, :] + (jnp.cumsum(hists, axis=0) - hists)
    poff8f = poff8.astype(jnp.float32).reshape(1, SPAD)
    endv = poff8 + counts
    e0f = (endv % 128).astype(jnp.float32).reshape(SPAD, 1)
    e1f = (endv // 128 % 128).astype(jnp.float32).reshape(SPAD, 1)
    e2f = (endv // 16384).astype(jnp.float32).reshape(SPAD, 1)
    gsegb, vcntb = _group_meta(poff8f, e0f, e1f, e2f)
    vcol = vcntb.reshape(NG, 1)
    gkeys = gsegb.reshape(NG, 1)

    a, b = _sc_permute(dstp, srcp, tbase, tbl16, idxp)

    w1 = jnp.zeros((16, 64), jnp.float32).at[:3].set(lW1)
    aggraw = _mlp_segmax(a, b, vcol, gkeys, w1, lb1[None, :], lW2,
                         lb2[None, :], lW3, lb3[None, :])

    ew1a = eW1[:512]
    ew1b = jnp.zeros((16, 512), jnp.float32).at[:3].set(eW1[512:515])
    z = _encode_select(aggraw, poss, ew1a, ew1b, eb1[None, :], eW2,
                       eb2[None, :])

    f1w1a = f1W1[:512]
    f1w1g = jnp.zeros((16, 512), jnp.float32).at[:2].set(f1W1[512:514])
    f1w3p = jnp.zeros((512, 16), jnp.float32).at[:, :3].set(f1W3)
    f1b3p = jnp.zeros((1, 16), jnp.float32).at[0, :3].set(f1b3)
    f2w1a = f2W1[:512]
    f2w1b = jnp.zeros((16, 512), jnp.float32).at[:3].set(f2W1[512:515])
    f2w3p = jnp.zeros((512, 16), jnp.float32).at[:, :3].set(f2W3)
    f2b3p = jnp.zeros((1, 16), jnp.float32).at[0, :3].set(f2b3)
    outp = _decode(z, jnp.asarray(_GG16_NP), f1w1a, f1w1g, f1b1[None, :],
                   f1W2, f1b2[None, :], f1w3p, f1b3p, f2w1a, f2w1b,
                   f2b1[None, :], f2W2, f2b2[None, :], f2w3p, f2b3p)
    return outp[:B * G, :3].reshape(B, G, 3)

# --- scband reference (transcript-rebuilt; emitter-appended) ---
"""Pipeline reference for scband-model-48653389529282 (READ-ONLY COPY).

The authoritative reference and input builder live on the scoring server;
editing this copy changes nothing except your own understanding.
"""

import jax, jax.numpy as jnp
import numpy as np

N = 10000   # points
B = 8       # point clouds in batch
S = 2000    # FPS-sampled centers (ratio 0.2)
E = 160000  # radius-graph edges (avg_degree 16)
K = 512     # bottleneck
NC = 10     # num_contri_feats
G = 45 * 45 # folding grid size


def _lin(k, fi, fo):
    w = jax.random.normal(k, (fi, fo), dtype=jnp.float32) * (1.0 / np.sqrt(fi))
    b = jnp.zeros((fo,), dtype=jnp.float32)
    return w, b


def setup_inputs(seed: int = 0) -> dict:
    key = jax.random.key(seed)
    ks = jax.random.split(key, 32)
    pos = jax.random.normal(ks[0], (N, 3), dtype=jnp.float32)
    batch = jnp.sort(jax.random.randint(ks[1], (N,), 0, B))
    # graph structure normally produced by fps() + radius(); precomputed here
    idx = jax.random.randint(ks[2], (S,), 0, N)       # FPS-sampled center indices
    src = jax.random.randint(ks[3], (E,), 0, N)       # x_idx: source points in full cloud
    dst = jax.random.randint(ks[4], (E,), 0, S)       # y_idx: target sampled centers
    # PointConv local_nn mlp([3,64,128,512])
    lW1, lb1 = _lin(ks[5], 3, 64)
    lW2, lb2 = _lin(ks[6], 64, 128)
    lW3, lb3 = _lin(ks[7], 128, 512)
    # encoder mlp([512+3, 512, bottleneck*2])
    eW1, eb1 = _lin(ks[8], 512 + 3, 512)
    eW2, eb2 = _lin(ks[9], 512, 2 * K)
    # FoldingNetDecFold1: conv1d(K+2,512,1) -> (512,512,1) -> (512,3,1)
    f1W1, f1b1 = _lin(ks[10], K + 2, 512)
    f1W2, f1b2 = _lin(ks[11], 512, 512)
    f1W3, f1b3 = _lin(ks[12], 512, 3)
    # FoldingNetDecFold2: conv1d(K+3,512,1) -> (512,512,1) -> (512,3,1)
    f2W1, f2b1 = _lin(ks[13], K + 3, 512)
    f2W2, f2b2 = _lin(ks[14], 512, 512)
    f2W3, f2b3 = _lin(ks[15], 512, 3)
    return {"pos": pos, "batch": batch, "idx": idx, "src": src, "dst": dst,
            "lW1": lW1, "lb1": lb1, "lW2": lW2, "lb2": lb2, "lW3": lW3, "lb3": lb3,
            "eW1": eW1, "eb1": eb1, "eW2": eW2, "eb2": eb2,
            "f1W1": f1W1, "f1b1": f1b1, "f1W2": f1W2, "f1b2": f1b2, "f1W3": f1W3, "f1b3": f1b3,
            "f2W1": f2W1, "f2b1": f2b1, "f2W2": f2W2, "f2b2": f2b2, "f2W3": f2W3, "f2b3": f2b3}


def _grid(bsize):
    g1, g2 = np.meshgrid(np.linspace(-0.3, 0.3, 45), np.linspace(-0.3, 0.3, 45))
    g = np.stack([g1.reshape(-1), g2.reshape(-1)], axis=-1).astype(np.float32)  # [2025,2]
    return jnp.broadcast_to(jnp.asarray(g), (bsize, G, 2))


def reference(pos, batch, idx, src, dst,
              lW1, lb1, lW2, lb2, lW3, lb3,
              eW1, eb1, eW2, eb2,
              f1W1, f1b1, f1W2, f1b2, f1W3, f1b3,
              f2W1, f2b1, f2W2, f2b2, f2W3, f2b3):
    lrelu = lambda t: jax.nn.leaky_relu(t, 0.2)
    pos_s = pos[idx]            # sampled centers [S,3]
    batch_s = batch[idx]        # [S]
    # --- SAModule / PointConv: message = local_nn(pos_j - pos_i), max-aggregate per center ---
    msg = pos[src] - pos_s[dst]                       # [E,3] gather
    h = lrelu(msg @ lW1 + lb1)
    h = lrelu(h @ lW2 + lb2)
    h = lrelu(h @ lW3 + lb3)                          # [E,512]
    agg = jax.ops.segment_max(h, dst, num_segments=S) # scatter-max
    agg = jnp.where(agg < -1e30, 0.0, agg)            # empty segments -> 0
    # --- encoder mlp -> mean/std ---
    feat = jnp.concatenate([agg, pos_s], axis=-1)     # [S,515]
    h2 = lrelu(feat @ eW1 + eb1)
    out = h2 @ eW2 + eb2                              # [S, 2K]
    mean, logvar = jnp.split(out, 2, axis=-1)
    std = jnp.exp(0.5 * logvar)
    # --- feature selection: per cloud pick NC most-confident (smallest mean std) features ---
    score = jnp.mean(std, axis=-1)                    # [S]
    def sel(b):
        m = batch_s == b
        s = jnp.where(m, -score, -jnp.inf)
        _, ii = jax.lax.top_k(s, NC)
        return mean[ii], std[ii]
    cmean, cstd = jax.vmap(sel)(jnp.arange(B))        # [B,NC,K]
    # --- latent module: precision-weighted optimal latent ---
    denorm = jnp.sum(1.0 / cstd, axis=1)
    nume = jnp.sum(cmean / cstd, axis=1)
    z = nume / denorm                                 # [B,K]
    # --- FoldingNet decoder ---
    code = jnp.repeat(z[:, None, :], G, axis=1)       # [B,G,K]
    grid = _grid(B)
    x = jnp.concatenate([code, grid], axis=-1)        # [B,G,K+2]
    h = jax.nn.relu(x @ f1W1 + f1b1)
    h = jax.nn.relu(h @ f1W2 + f1b2)
    x1 = h @ f1W3 + f1b3                              # [B,G,3]
    x = jnp.concatenate([code, x1], axis=-1)          # [B,G,K+3]
    h = jax.nn.relu(x @ f2W1 + f2b1)
    h = jax.nn.relu(h @ f2W2 + f2b2)
    pc = h @ f2W3 + f2b3                              # [B,G,3]
    return pc

if __name__ == "__main__":
    import jax
    _d = setup_inputs()
    print(jax.jit(kernel)(*tuple(_d.values())))

</pallas_src>

<mosaic_0001>
#map = affine_map<(d0, d1) -> (0)>
#map1 = affine_map<(d0, d1) -> (0, 0)>
module attributes {stable_mosaic.version = 14 : i64} {
  func.func @k(%arg0: i32, %arg1: i32, %arg2: memref<163840xi32, #tpu.memory_space<hbm>>, %arg3: memref<10000x16xf32, #tpu.memory_space<hbm>>, %arg4: memref<2048xi32, #tpu.memory_space<hbm>>, %arg5: memref<32x2048xi32, #tpu.memory_space<hbm>>, %arg6: memref<2048x16xf32, #tpu.memory_space<hbm>>, %arg7: memref<5120xi32, #tpu.memory_space<vmem>>, %arg8: memref<32768xi32, #tpu.memory_space<vmem>>, %arg9: memref<2048xi32, #tpu.memory_space<vmem>>, %arg10: memref<64x16xf32, #tpu.memory_space<vmem>>, %arg11: memref<64xi32, #tpu.memory_space<vmem>>, %arg12: memref<!tpu.dma_semaphore, #tpu.memory_space<semaphore_mem>>) attributes {dimension_semantics = [#tpu.dimension_semantics<core_parallel>, #tpu.dimension_semantics<subcore_parallel>], iteration_bounds = array<i64: 2, 16>, scalar_prefetch = 0 : i64, scratch_operands = 6 : i64, tpu.core_type = #tpu.core_type<sc_vector_subcore>, window_params = [{transform_indices = #map}, {transform_indices = #map1}, {transform_indices = #map}, {transform_indices = #map1}, {transform_indices = #map1}]} {
    %mul3A = arith.constant 2 : i32
    %mul3A_0 = arith.muli %arg1, %mul3A : i32
    %add3A = arith.addi %mul3A_0, %arg0 : i32
    %mul3A_1 = arith.constant 5120 : i32
    %mul3A_2 = arith.muli %add3A, %mul3A_1 : i32
    "tpu.region"() ({
      %run_scoped3A = tpu.sem_alloc : memref<!tpu.dma_semaphore, #tpu.memory_space<semaphore_mem>>
      %dma_start3A_30 = tpu.memref_slice %arg2[%mul3A_2] : memref<163840xi32, #tpu.memory_space<hbm>> -> memref<5120xi32, #tpu.memory_space<hbm>>
      %dma_start3A_31 = tpu.memref_slice %arg2[%mul3A_2] : memref<163840xi32, #tpu.memory_space<hbm>> -> memref<5120xi32, #tpu.memory_space<hbm>>
      tpu.enqueue_dma source(%dma_start3A_31 : memref<5120xi32, #tpu.memory_space<hbm>>) target(%arg7 : memref<5120xi32, #tpu.memory_space<vmem>>) target_semaphore(%run_scoped3A : memref<!tpu.dma_semaphore, #tpu.memory_space<semaphore_mem>>)
      %dma_wait3A_32 = tpu.memref_slice %arg2[%mul3A_2] : memref<163840xi32, #tpu.memory_space<hbm>> -> memref<5120xi32, #tpu.memory_space<hbm>>
      %dma_wait3A_33 = tpu.memref_slice %arg2[%mul3A_2] : memref<163840xi32, #tpu.memory_space<hbm>> -> memref<5120xi32, #tpu.memory_space<hbm>>
      tpu.wait_dma2 semaphore(%run_scoped3A : memref<!tpu.dma_semaphore, #tpu.memory_space<semaphore_mem>>) src(%dma_wait3A_33 : memref<5120xi32, #tpu.memory_space<hbm>>) dst(%arg7 : memref<5120xi32, #tpu.memory_space<vmem>>)
      tpu.yield
    }) : () -> ()
    %broadcast_in_dim3A = arith.constant 0 : i32
    %broadcast_in_dim3A_3 = vector.broadcast %broadcast_in_dim3A : i32 to vector<16xi32>
    %scan3A = arith.constant 0 : i32
    %scan3A_4 = arith.constant 0 : i32
    %scan3A_5 = arith.constant 2048 : i32
    %scan3A_6 = arith.addi %scan3A_4, %scan3A_5 : i32
    %scan3A_7 = arith.constant 1 : i32
    scf.for %scan3A_30 = %scan3A_4 to %scan3A_6 step %scan3A_7  : i32 {
      %mul3A_31 = arith.constant 16 : i32
      %mul3A_32 = arith.muli %scan3A_30, %mul3A_31 : i32
      %swap3A = arith.index_cast %mul3A_32 : i32 to index
      %swap3A_33 = tpu.vector_load %arg8[%swap3A] {strides = array<i32>} : memref<32768xi32, #tpu.memory_space<vmem>>, vector<16xi32>,
      tpu.vector_store %arg8[%swap3A], %broadcast_in_dim3A_3 {strides = array<i32>} : memref<32768xi32, #tpu.memory_space<vmem>>, vector<16xi32>,
    }
    %scan3A_8 = arith.constant 2048 : i32
    %iota3A = tpu.iota {dimensions = array<i32: 0>} : vector<16xi32>
    %mul3A_9 = arith.constant 2048 : i32
    %mul3A_10 = vector.broadcast %mul3A_9 : i32 to vector<16xi32>
    %mul3A_11 = arith.muli %iota3A, %mul3A_10 : vector<16xi32>
    %scan3A_12 = arith.constant 0 : i32
    %scan3A_13 = arith.constant 0 : i32
    %scan3A_14 = arith.constant 320 : i32
    %scan3A_15 = arith.addi %scan3A_13, %scan3A_14 : i32
    %scan3A_16 = arith.constant 1 : i32
    scf.for %scan3A_30 = %scan3A_13 to %scan3A_15 step %scan3A_16  : i32 {
      %mul3A_31 = arith.constant 16 : i32
      %mul3A_32 = arith.muli %scan3A_30, %mul3A_31 : i32
      %get3A = arith.index_cast %mul3A_32 : i32 to index
      %get3A_33 = tpu.vector_load %arg7[%get3A] {strides = array<i32>} : memref<5120xi32, #tpu.memory_space<vmem>>, vector<16xi32>,
      %add3A_34 = arith.addi %mul3A_11, %get3A_33 : vector<16xi32>
      %gather3A = tpu.vector_load_idx %arg8[%add3A_34] : memref<32768xi32, #tpu.memory_space<vmem>>[vector<16xi32>], vector<16xi32>,
      %add3A_35 = arith.constant 1 : i32
      %add3A_36 = vector.broadcast %add3A_35 : i32 to vector<16xi32>
      %add3A_37 = arith.addi %gather3A, %add3A_36 : vector<16xi32>
      tpu.vector_store_idx %arg8[%add3A_34], %add3A_37 : memref<32768xi32, #tpu.memory_space<vmem>>[vector<16xi32>], vector<16xi32>,
    }
    %scan3A_17 = arith.constant 320 : i32
    %scan3A_18 = arith.constant 0 : i32
    %scan3A_19 = arith.constant 0 : i32
    %scan3A_20 = arith.constant 128 : i32
    %scan3A_21 = arith.addi %scan3A_19, %scan3A_20 : i32
    %scan3A_22 = arith.constant 1 : i32
    scf.for %scan3A_30 = %scan3A_19 to %scan3A_21 step %scan3A_22  : i32 {
      %broadcast_in_dim3A_31 = arith.constant 0 : i32
      %broadcast_in_dim3A_32 = vector.broadcast %broadcast_in_dim3A_31 : i32 to vector<16xi32>
      %mul3A_33 = arith.constant 16 : i32
      %mul3A_34 = arith.muli %scan3A_30, %mul3A_33 : i32
      %add3A_35 = arith.constant 0 : i32
      %add3A_36 = arith.addi %add3A_35, %mul3A_34 : i32
      %get3A = arith.index_cast %add3A_36 : i32 to index
      %get3A_37 = tpu.vector_load %arg8[%get3A] {strides = array<i32>} : memref<32768xi32, #tpu.memory_space<vmem>>, vector<16xi32>,
      %add3A_38 = arith.addi %broadcast_in_dim3A_32, %get3A_37 : vector<16xi32>
      %mul3A_39 = arith.constant 16 : i32
      %mul3A_40 = arith.muli %scan3A_30, %mul3A_39 : i32
      %add3A_41 = arith.constant 2048 : i32
      %add3A_42 = arith.addi %add3A_41, %mul3A_40 : i32
      %get3A_43 = arith.index_cast %add3A_42 : i32 to index
      %get3A_44 = tpu.vector_load %arg8[%get3A_43] {strides = array<i32>} : memref<32768xi32, #tpu.memory_space<vmem>>, vector<16xi32>,
      %add3A_45 = arith.addi %add3A_38, %get3A_44 : vector<16xi32>
      %mul3A_46 = arith.constant 16 : i32
      %mul3A_47 = arith.muli %scan3A_30, %mul3A_46 : i32
      %add3A_48 = arith.constant 4096 : i32
      %add3A_49 = arith.addi %add3A_48, %mul3A_47 : i32
      %get3A_50 = arith.index_cast %add3A_49 : i32 to index
      %get3A_51 = tpu.vector_load %arg8[%get3A_50] {strides = array<i32>} : memref<32768xi32, #tpu.memory_space<vmem>>, vector<16xi32>,
      %add3A_52 = arith.addi %add3A_45, %get3A_51 : vector<16xi32>
      %mul3A_53 = arith.constant 16 : i32
      %mul3A_54 = arith.muli %scan3A_30, %mul3A_53 : i32
      %add3A_55 = arith.constant 6144 : i32
      %add3A_56 = arith.addi %add3A_55, %mul3A_54 : i32
      %get3A_57 = arith.index_cast %add3A_56 : i32 to index
      %get3A_58 = tpu.vector_load %arg8[%get3A_57] {strides = array<i32>} : memref<32768xi32, #tpu.memory_space<vmem>>, vector<16xi32>,
      %add3A_59 = arith.addi %add3A_52, %get3A_58 : vector<16xi32>
      %mul3A_60 = arith.constant 16 : i32
      %mul3A_61 = arith.muli %scan3A_30, %mul3A_60 : i32
      %add3A_62 = arith.constant 8192 : i32
      %add3A_63 = arith.addi %add3A_62, %mul3A_61 : i32
      %get3A_64 = arith.index_cast %add3A_63 : i32 to index
      %get3A_65 = tpu.vector_load %arg8[%get3A_64] {strides = array<i32>} : memref<32768xi32, #tpu.memory_space<vmem>>, vector<16xi32>,
      %add3A_66 = arith.addi %add3A_59, %get3A_65 : vector<16xi32>
      %mul3A_67 = arith.constant 16 : i32
      %mul3A_68 = arith.muli %scan3A_30, %mul3A_67 : i32
      %add3A_69 = arith.constant 10240 : i32
      %add3A_70 = arith.addi %add3A_69, %mul3A_68 : i32
      %get3A_71 = arith.index_cast %add3A_70 : i32 to index
      %get3A_72 = tpu.vector_load %arg8[%get3A_71] {strides = array<i32>} : memref<32768xi32, #tpu.memory_space<vmem>>, vector<16xi32>,
      %add3A_73 = arith.addi %add3A_66, %get3A_72 : vector<16xi32>
      %mul3A_74 = arith.constant 16 : i32
      %mul3A_75 = arith.muli %scan3A_30, %mul3A_74 : i32
      %add3A_76 = arith.constant 12288 : i32
      %add3A_77 = arith.addi %add3A_76, %mul3A_75 : i32
      %get3A_78 = arith.index_cast %add3A_77 : i32 to index
      %get3A_79 = tpu.vector_load %arg8[%get3A_78] {strides = array<i32>} : memref<32768xi32, #tpu.memory_space<vmem>>, vector<16xi32>,
      %add3A_80 = arith.addi %add3A_73, %get3A_79 : vector<16xi32>
      %mul3A_81 = arith.constant 16 : i32
      %mul3A_82 = arith.muli %scan3A_30, %mul3A_81 : i32
      %add3A_83 = arith.constant 14336 : i32
      %add3A_84 = arith.addi %add3A_83, %mul3A_82 : i32
      %get3A_85 = arith.index_cast %add3A_84 : i32 to index
      %get3A_86 = tpu.vector_load %arg8[%get3A_85] {strides = array<i32>} : memref<32768xi32, #tpu.memory_space<vmem>>, vector<16xi32>,
      %add3A_87 = arith.addi %add3A_80, %get3A_86 : vector<16xi32>
      %mul3A_88 = arith.constant 16 : i32
      %mul3A_89 = arith.muli %scan3A_30, %mul3A_88 : i32
      %add3A_90 = arith.constant 16384 : i32
      %add3A_91 = arith.addi %add3A_90, %mul3A_89 : i32
      %get3A_92 = arith.index_cast %add3A_91 : i32 to index
      %get3A_93 = tpu.vector_load %arg8[%get3A_92] {strides = array<i32>} : memref<32768xi32, #tpu.memory_space<vmem>>, vector<16xi32>,
      %add3A_94 = arith.addi %add3A_87, %get3A_93 : vector<16xi32>
      %mul3A_95 = arith.constant 16 : i32
      %mul3A_96 = arith.muli %scan3A_30, %mul3A_95 : i32
      %add3A_97 = arith.constant 18432 : i32
      %add3A_98 = arith.addi %add3A_97, %mul3A_96 : i32
      %get3A_99 = arith.index_cast %add3A_98 : i32 to index
      %get3A_100 = tpu.vector_load %arg8[%get3A_99] {strides = array<i32>} : memref<32768xi32, #tpu.memory_space<vmem>>, vector<16xi32>,
      %add3A_101 = arith.addi %add3A_94, %get3A_100 : vector<16xi32>
      %mul3A_102 = arith.constant 16 : i32
      %mul3A_103 = arith.muli %scan3A_30, %mul3A_102 : i32
      %add3A_104 = arith.constant 20480 : i32
      %add3A_105 = arith.addi %add3A_104, %mul3A_103 : i32
      %get3A_106 = arith.index_cast %add3A_105 : i32 to index
      %get3A_107 = tpu.vector_load %arg8[%get3A_106] {strides = array<i32>} : memref<32768xi32, #tpu.memory_space<vmem>>, vector<16xi32>,
      %add3A_108 = arith.addi %add3A_101, %get3A_107 : vector<16xi32>
      %mul3A_109 = arith.constant 16 : i32
      %mul3A_110 = arith.muli %scan3A_30, %mul3A_109 : i32
      %add3A_111 = arith.constant 22528 : i32
      %add3A_112 = arith.addi %add3A_111, %mul3A_110 : i32
      %get3A_113 = arith.index_cast %add3A_112 : i32 to index
      %get3A_114 = tpu.vector_load %arg8[%get3A_113] {strides = array<i32>} : memref<32768xi32, #tpu.memory_space<vmem>>, vector<16xi32>,
      %add3A_115 = arith.addi %add3A_108, %get3A_114 : vector<16xi32>
      %mul3A_116 = arith.constant 16 : i32
      %mul3A_117 = arith.muli %scan3A_30, %mul3A_116 : i32
      %add3A_118 = arith.constant 24576 : i32
      %add3A_119 = arith.addi %add3A_118, %mul3A_117 : i32
      %get3A_120 = arith.index_cast %add3A_119 : i32 to index
      %get3A_121 = tpu.vector_load %arg8[%get3A_120] {strides = array<i32>} : memref<32768xi32, #tpu.memory_space<vmem>>, vector<16xi32>,
      %add3A_122 = arith.addi %add3A_115, %get3A_121 : vector<16xi32>
      %mul3A_123 = arith.constant 16 : i32
      %mul3A_124 = arith.muli %scan3A_30, %mul3A_123 : i32
      %add3A_125 = arith.constant 26624 : i32
      %add3A_126 = arith.addi %add3A_125, %mul3A_124 : i32
      %get3A_127 = arith.index_cast %add3A_126 : i32 to index
      %get3A_128 = tpu.vector_load %arg8[%get3A_127] {strides = array<i32>} : memref<32768xi32, #tpu.memory_space<vmem>>, vector<16xi32>,
      %add3A_129 = arith.addi %add3A_122, %get3A_128 : vector<16xi32>
      %mul3A_130 = arith.constant 16 : i32
      %mul3A_131 = arith.muli %scan3A_30, %mul3A_130 : i32
      %add3A_132 = arith.constant 28672 : i32
      %add3A_133 = arith.addi %add3A_132, %mul3A_131 : i32
      %get3A_134 = arith.index_cast %add3A_133 : i32 to index
      %get3A_135 = tpu.vector_load %arg8[%get3A_134] {strides = array<i32>} : memref<32768xi32, #tpu.memory_space<vmem>>, vector<16xi32>,
      %add3A_136 = arith.addi %add3A_129, %get3A_135 : vector<16xi32>
      %mul3A_137 = arith.constant 16 : i32
      %mul3A_138 = arith.muli %scan3A_30, %mul3A_137 : i32
      %add3A_139 = arith.constant 30720 : i32
      %add3A_140 = arith.addi %add3A_139, %mul3A_138 : i32
      %get3A_141 = arith.index_cast %add3A_140 : i32 to index
      %get3A_142 = tpu.vector_load %arg8[%get3A_141] {strides = array<i32>} : memref<32768xi32, #tpu.memory_space<vmem>>, vector<16xi32>,
      %add3A_143 = arith.addi %add3A_136, %get3A_142 : vector<16xi32>
      %mul3A_144 = arith.constant 16 : i32
      %mul3A_145 = arith.muli %scan3A_30, %mul3A_144 : i32
      %swap3A = arith.index_cast %mul3A_145 : i32 to index
      %swap3A_146 = tpu.vector_load %arg9[%swap3A] {strides = array<i32>} : memref<2048xi32, #tpu.memory_space<vmem>>, vector<16xi32>,
      tpu.vector_store %arg9[%swap3A], %add3A_143 {strides = array<i32>} : memref<2048xi32, #tpu.memory_space<vmem>>, vector<16xi32>,
    }
    %scan3A_23 = arith.constant 128 : i32
    "tpu.region"() ({
      %run_scoped3A = tpu.sem_alloc : memref<!tpu.dma_semaphore, #tpu.memory_space<semaphore_mem>>
      %dma_start3A_30 = arith.constant 0 : i32
      %dma_start3A_31 = tpu.memref_slice %arg5[%add3A, %dma_start3A_30] : memref<32x2048xi32, #tpu.memory_space<hbm>> -> memref<1x2048xi32, #tpu.memory_space<hbm>>
      %dma_start3A_32 = tpu.memref_squeeze %dma_start3A_31 : memref<1x2048xi32, #tpu.memory_space<hbm>> -> memref<2048xi32, #tpu.memory_space<hbm>>
      %dma_start3A_33 = arith.constant 0 : i32
      %dma_start3A_34 = tpu.memref_slice %arg5[%add3A, %dma_start3A_33] : memref<32x2048xi32, #tpu.memory_space<hbm>> -> memref<1x2048xi32, #tpu.memory_space<hbm>>
      %dma_start3A_35 = tpu.memref_squeeze %dma_start3A_34 : memref<1x2048xi32, #tpu.memory_space<hbm>> -> memref<2048xi32, #tpu.memory_space<hbm>>
      tpu.enqueue_dma source(%arg9 : memref<2048xi32, #tpu.memory_space<vmem>>) target(%dma_start3A_35 : memref<2048xi32, #tpu.memory_space<hbm>>) target_semaphore(%run_scoped3A : memref<!tpu.dma_semaphore, #tpu.memory_space<semaphore_mem>>)
      %dma_wait3A_36 = arith.constant 0 : i32
      %dma_wait3A_37 = tpu.memref_slice %arg5[%add3A, %dma_wait3A_36] : memref<32x2048xi32, #tpu.memory_space<hbm>> -> memref<1x2048xi32, #tpu.memory_space<hbm>>
      %dma_wait3A_38 = tpu.memref_squeeze %dma_wait3A_37 : memref<1x2048xi32, #tpu.memory_space<hbm>> -> memref<2048xi32, #tpu.memory_space<hbm>>
      %dma_wait3A_39 = arith.constant 0 : i32
      %dma_wait3A_40 = tpu.memref_slice %arg5[%add3A, %dma_wait3A_39] : memref<32x2048xi32, #tpu.memory_space<hbm>> -> memref<1x2048xi32, #tpu.memory_space<hbm>>
      %dma_wait3A_41 = tpu.memref_squeeze %dma_wait3A_40 : memref<1x2048xi32, #tpu.memory_space<hbm>> -> memref<2048xi32, #tpu.memory_space<hbm>>
      tpu.wait_dma2 semaphore(%run_scoped3A : memref<!tpu.dma_semaphore, #tpu.memory_space<semaphore_mem>>) src(%arg9 : memref<2048xi32, #tpu.memory_space<vmem>>) dst(%dma_wait3A_41 : memref<2048xi32, #tpu.memory_space<hbm>>)
      tpu.yield
    }) : () -> ()
    %mul3A_24 = arith.constant 64 : i32
    %mul3A_25 = arith.muli %add3A, %mul3A_24 : i32
    "tpu.region"() ({
      %run_scoped3A = tpu.sem_alloc : memref<!tpu.dma_semaphore, #tpu.memory_space<semaphore_mem>>
      %dma_start3A_30 = tpu.memref_slice %arg4[%mul3A_25] : memref<2048xi32, #tpu.memory_space<hbm>> -> memref<64xi32, #tpu.memory_space<hbm>>
      %dma_start3A_31 = tpu.memref_slice %arg4[%mul3A_25] : memref<2048xi32, #tpu.memory_space<hbm>> -> memref<64xi32, #tpu.memory_space<hbm>>
      tpu.enqueue_dma source(%dma_start3A_31 : memref<64xi32, #tpu.memory_space<hbm>>) target(%arg11 : memref<64xi32, #tpu.memory_space<vmem>>) target_semaphore(%run_scoped3A : memref<!tpu.dma_semaphore, #tpu.memory_space<semaphore_mem>>)
      %dma_wait3A_32 = tpu.memref_slice %arg4[%mul3A_25] : memref<2048xi32, #tpu.memory_space<hbm>> -> memref<64xi32, #tpu.memory_space<hbm>>
      %dma_wait3A_33 = tpu.memref_slice %arg4[%mul3A_25] : memref<2048xi32, #tpu.memory_space<hbm>> -> memref<64xi32, #tpu.memory_space<hbm>>
      tpu.wait_dma2 semaphore(%run_scoped3A : memref<!tpu.dma_semaphore, #tpu.memory_space<semaphore_mem>>) src(%dma_wait3A_33 : memref<64xi32, #tpu.memory_space<hbm>>) dst(%arg11 : memref<64xi32, #tpu.memory_space<vmem>>)
      tpu.yield
    }) : () -> ()
    %dma_start3A = arith.constant 0 : i32
    %dma_start3A_26 = arith.constant 0 : i32
    %dma_start3A_27 = tpu.memref_slice %arg3[%dma_start3A, %dma_start3A_26] : memref<10000x16xf32, #tpu.memory_space<hbm>> -> memref<10000x16xf32, #tpu.memory_space<hbm>>
    tpu.enqueue_indirect_dma source(%dma_start3A_27 : memref<10000x16xf32, #tpu.memory_space<hbm>>) target(%arg10 : memref<64x16xf32, #tpu.memory_space<vmem>>) offsets(%arg11 : memref<64xi32, #tpu.memory_space<vmem>>) semaphore(%arg12 : memref<!tpu.dma_semaphore, #tpu.memory_space<semaphore_mem>>)
    %dma_wait3A = arith.constant 0 : i32
    %dma_wait3A_28 = arith.constant 0 : i32
    %dma_wait3A_29 = tpu.memref_slice %arg3[%dma_wait3A, %dma_wait3A_28] : memref<10000x16xf32, #tpu.memory_space<hbm>> -> memref<10000x16xf32, #tpu.memory_space<hbm>>
    tpu.wait_indirect_dma semaphore(%arg12 : memref<!tpu.dma_semaphore, #tpu.memory_space<semaphore_mem>>) src(%dma_wait3A_29 : memref<10000x16xf32, #tpu.memory_space<hbm>>) dst(%arg10 : memref<64x16xf32, #tpu.memory_space<vmem>>)
    "tpu.region"() ({
      %run_scoped3A = tpu.sem_alloc : memref<!tpu.dma_semaphore, #tpu.memory_space<semaphore_mem>>
      %dma_start3A_30 = arith.constant 0 : i32
      %dma_start3A_31 = tpu.memref_slice %arg6[%mul3A_25, %dma_start3A_30] : memref<2048x16xf32, #tpu.memory_space<hbm>> -> memref<64x16xf32, #tpu.memory_space<hbm>>
      %dma_start3A_32 = arith.constant 0 : i32
      %dma_start3A_33 = tpu.memref_slice %arg6[%mul3A_25, %dma_start3A_32] : memref<2048x16xf32, #tpu.memory_space<hbm>> -> memref<64x16xf32, #tpu.memory_space<hbm>>
      tpu.enqueue_dma source(%arg10 : memref<64x16xf32, #tpu.memory_space<vmem>>) target(%dma_start3A_33 : memref<64x16xf32, #tpu.memory_space<hbm>>) target_semaphore(%run_scoped3A : memref<!tpu.dma_semaphore, #tpu.memory_space<semaphore_mem>>)
      %dma_wait3A_34 = arith.constant 0 : i32
      %dma_wait3A_35 = tpu.memref_slice %arg6[%mul3A_25, %dma_wait3A_34] : memref<2048x16xf32, #tpu.memory_space<hbm>> -> memref<64x16xf32, #tpu.memory_space<hbm>>
      %dma_wait3A_36 = arith.constant 0 : i32
      %dma_wait3A_37 = tpu.memref_slice %arg6[%mul3A_25, %dma_wait3A_36] : memref<2048x16xf32, #tpu.memory_space<hbm>> -> memref<64x16xf32, #tpu.memory_space<hbm>>
      tpu.wait_dma2 semaphore(%run_scoped3A : memref<!tpu.dma_semaphore, #tpu.memory_space<semaphore_mem>>) src(%arg10 : memref<64x16xf32, #tpu.memory_space<vmem>>) dst(%dma_wait3A_37 : memref<64x16xf32, #tpu.memory_space<hbm>>)
      tpu.yield
    }) : () -> ()
    return
  }
}

#map = affine_map<(d0, d1) -> (0)>
#map1 = affine_map<(d0, d1) -> (0, 0)>
module attributes {stable_mosaic.version = 14 : i64} {
  func.func @k(%arg0: i32, %arg1: i32, %arg2: memref<163840xi32, #tpu.memory_space<hbm>>, %arg3: memref<163840xi32, #tpu.memory_space<hbm>>, %arg4: memref<32x2048xi32, #tpu.memory_space<hbm>>, %arg5: memref<10000x16xf32, #tpu.memory_space<hbm>>, %arg6: memref<2048xi32, #tpu.memory_space<hbm>>, %arg7: memref<178176x16xf32, #tpu.memory_space<hbm>>, %arg8: memref<178176x16xf32, #tpu.memory_space<hbm>>, %arg9: memref<5120xi32, #tpu.memory_space<vmem>>, %arg10: memref<5120xi32, #tpu.memory_space<vmem>>, %arg11: memref<5120xi32, #tpu.memory_space<vmem>>, %arg12: memref<40x128xi32, #tpu.memory_space<vmem>>, %arg13: memref<2048xi32, #tpu.memory_space<vmem>>, %arg14: memref<2048xi32, #tpu.memory_space<vmem>>, %arg15: memref<48xi32, #tpu.memory_space<vmem>>, %arg16: memref<5120x16xf32, #tpu.memory_space<vmem>>, %arg17: memref<!tpu.dma_semaphore, #tpu.memory_space<semaphore_mem>>) attributes {dimension_semantics = [#tpu.dimension_semantics<core_parallel>, #tpu.dimension_semantics<subcore_parallel>], iteration_bounds = array<i64: 2, 16>, scalar_prefetch = 0 : i64, scratch_operands = 9 : i64, tpu.core_type = #tpu.core_type<sc_vector_subcore>, window_params = [{transform_indices = #map}, {transform_indices = #map}, {transform_indices = #map1}, {transform_indices = #map1}, {transform_indices = #map}, {transform_indices = #map1}, {transform_indices = #map1}]} {
    %mul3A = arith.constant 2 : i32
    %mul3A_0 = arith.muli %arg1, %mul3A : i32
    %add3A = arith.addi %mul3A_0, %arg0 : i32
    %mul3A_1 = arith.constant 5120 : i32
    %mul3A_2 = arith.muli %add3A, %mul3A_1 : i32
    "tpu.region"() ({
      %run_scoped3A = tpu.sem_alloc : memref<!tpu.dma_semaphore, #tpu.memory_space<semaphore_mem>>
      %dma_start3A = tpu.memref_slice %arg2[%mul3A_2] : memref<163840xi32, #tpu.memory_space<hbm>> -> memref<5120xi32, #tpu.memory_space<hbm>>
      %dma_start3A_59 = tpu.memref_slice %arg2[%mul3A_2] : memref<163840xi32, #tpu.memory_space<hbm>> -> memref<5120xi32, #tpu.memory_space<hbm>>
      tpu.enqueue_dma source(%dma_start3A_59 : memref<5120xi32, #tpu.memory_space<hbm>>) target(%arg9 : memref<5120xi32, #tpu.memory_space<vmem>>) target_semaphore(%run_scoped3A : memref<!tpu.dma_semaphore, #tpu.memory_space<semaphore_mem>>)
      %dma_wait3A_60 = tpu.memref_slice %arg2[%mul3A_2] : memref<163840xi32, #tpu.memory_space<hbm>> -> memref<5120xi32, #tpu.memory_space<hbm>>
      %dma_wait3A_61 = tpu.memref_slice %arg2[%mul3A_2] : memref<163840xi32, #tpu.memory_space<hbm>> -> memref<5120xi32, #tpu.memory_space<hbm>>
      tpu.wait_dma2 semaphore(%run_scoped3A : memref<!tpu.dma_semaphore, #tpu.memory_space<semaphore_mem>>) src(%dma_wait3A_61 : memref<5120xi32, #tpu.memory_space<hbm>>) dst(%arg9 : memref<5120xi32, #tpu.memory_space<vmem>>)
      tpu.yield
    }) : () -> ()
    "tpu.region"() ({
      %run_scoped3A = tpu.sem_alloc : memref<!tpu.dma_semaphore, #tpu.memory_space<semaphore_mem>>
      %dma_start3A = tpu.memref_slice %arg3[%mul3A_2] : memref<163840xi32, #tpu.memory_space<hbm>> -> memref<5120xi32, #tpu.memory_space<hbm>>
      %dma_start3A_59 = tpu.memref_slice %arg3[%mul3A_2] : memref<163840xi32, #tpu.memory_space<hbm>> -> memref<5120xi32, #tpu.memory_space<hbm>>
      tpu.enqueue_dma source(%dma_start3A_59 : memref<5120xi32, #tpu.memory_space<hbm>>) target(%arg10 : memref<5120xi32, #tpu.memory_space<vmem>>) target_semaphore(%run_scoped3A : memref<!tpu.dma_semaphore, #tpu.memory_space<semaphore_mem>>)
      %dma_wait3A_60 = tpu.memref_slice %arg3[%mul3A_2] : memref<163840xi32, #tpu.memory_space<hbm>> -> memref<5120xi32, #tpu.memory_space<hbm>>
      %dma_wait3A_61 = tpu.memref_slice %arg3[%mul3A_2] : memref<163840xi32, #tpu.memory_space<hbm>> -> memref<5120xi32, #tpu.memory_space<hbm>>
      tpu.wait_dma2 semaphore(%run_scoped3A : memref<!tpu.dma_semaphore, #tpu.memory_space<semaphore_mem>>) src(%dma_wait3A_61 : memref<5120xi32, #tpu.memory_space<hbm>>) dst(%arg10 : memref<5120xi32, #tpu.memory_space<vmem>>)
      tpu.yield
    }) : () -> ()
    "tpu.region"() ({
      %run_scoped3A = tpu.sem_alloc : memref<!tpu.dma_semaphore, #tpu.memory_space<semaphore_mem>>
      %dma_start3A = arith.constant 0 : i32
      %dma_start3A_59 = tpu.memref_slice %arg4[%add3A, %dma_start3A] : memref<32x2048xi32, #tpu.memory_space<hbm>> -> memref<1x2048xi32, #tpu.memory_space<hbm>>
      %dma_start3A_60 = tpu.memref_squeeze %dma_start3A_59 : memref<1x2048xi32, #tpu.memory_space<hbm>> -> memref<2048xi32, #tpu.memory_space<hbm>>
      %dma_start3A_61 = arith.constant 0 : i32
      %dma_start3A_62 = tpu.memref_slice %arg4[%add3A, %dma_start3A_61] : memref<32x2048xi32, #tpu.memory_space<hbm>> -> memref<1x2048xi32, #tpu.memory_space<hbm>>
      %dma_start3A_63 = tpu.memref_squeeze %dma_start3A_62 : memref<1x2048xi32, #tpu.memory_space<hbm>> -> memref<2048xi32, #tpu.memory_space<hbm>>
      tpu.enqueue_dma source(%dma_start3A_63 : memref<2048xi32, #tpu.memory_space<hbm>>) target(%arg13 : memref<2048xi32, #tpu.memory_space<vmem>>) target_semaphore(%run_scoped3A : memref<!tpu.dma_semaphore, #tpu.memory_space<semaphore_mem>>)
      %dma_wait3A_64 = arith.constant 0 : i32
      %dma_wait3A_65 = tpu.memref_slice %arg4[%add3A, %dma_wait3A_64] : memref<32x2048xi32, #tpu.memory_space<hbm>> -> memref<1x2048xi32, #tpu.memory_space<hbm>>
      %dma_wait3A_66 = tpu.memref_squeeze %dma_wait3A_65 : memref<1x2048xi32, #tpu.memory_space<hbm>> -> memref<2048xi32, #tpu.memory_space<hbm>>
      %dma_wait3A_67 = arith.constant 0 : i32
      %dma_wait3A_68 = tpu.memref_slice %arg4[%add3A, %dma_wait3A_67] : memref<32x2048xi32, #tpu.memory_space<hbm>> -> memref<1x2048xi32, #tpu.memory_space<hbm>>
      %dma_wait3A_69 = tpu.memref_squeeze %dma_wait3A_68 : memref<1x2048xi32, #tpu.memory_space<hbm>> -> memref<2048xi32, #tpu.memory_space<hbm>>
      tpu.wait_dma2 semaphore(%run_scoped3A : memref<!tpu.dma_semaphore, #tpu.memory_space<semaphore_mem>>) src(%dma_wait3A_69 : memref<2048xi32, #tpu.memory_space<hbm>>) dst(%arg13 : memref<2048xi32, #tpu.memory_space<vmem>>)
      tpu.yield
    }) : () -> ()
    "tpu.region"() ({
      %run_scoped3A = tpu.sem_alloc : memref<!tpu.dma_semaphore, #tpu.memory_space<semaphore_mem>>
      tpu.enqueue_dma source(%arg6 : memref<2048xi32, #tpu.memory_space<hbm>>) target(%arg14 : memref<2048xi32, #tpu.memory_space<vmem>>) target_semaphore(%run_scoped3A : memref<!tpu.dma_semaphore, #tpu.memory_space<semaphore_mem>>)
      tpu.wait_dma2 semaphore(%run_scoped3A : memref<!tpu.dma_semaphore, #tpu.memory_space<semaphore_mem>>) src(%arg6 : memref<2048xi32, #tpu.memory_space<hbm>>) dst(%arg14 : memref<2048xi32, #tpu.memory_space<vmem>>)
      tpu.yield
    }) : () -> ()
    %broadcast_in_dim3A = arith.constant -1 : i32
    %broadcast_in_dim3A_3 = vector.broadcast %broadcast_in_dim3A : i32 to vector<16xi32>
    %swap3A = arith.constant 0 : index
    %swap3A_4 = tpu.vector_load %arg15[%swap3A] {strides = array<i32>} : memref<48xi32, #tpu.memory_space<vmem>>, vector<16xi32>,
    tpu.vector_store %arg15[%swap3A], %broadcast_in_dim3A_3 {strides = array<i32>} : memref<48xi32, #tpu.memory_space<vmem>>, vector<16xi32>,
    %swap3A_5 = arith.constant 32 : index
    %swap3A_6 = tpu.vector_load %arg15[%swap3A_5] {strides = array<i32>} : memref<48xi32, #tpu.memory_space<vmem>>, vector<16xi32>,
    tpu.vector_store %arg15[%swap3A_5], %broadcast_in_dim3A_3 {strides = array<i32>} : memref<48xi32, #tpu.memory_space<vmem>>, vector<16xi32>,
    %iota3A = tpu.iota {dimensions = array<i32: 0>} : vector<16xi32>
    %scan3A = arith.constant 0 : i32
    %scan3A_7 = arith.constant 0 : i32
    %scan3A_8 = arith.constant 320 : i32
    %scan3A_9 = arith.addi %scan3A_7, %scan3A_8 : i32
    %scan3A_10 = arith.constant 1 : i32
    scf.for %scan3A_59 = %scan3A_7 to %scan3A_9 step %scan3A_10  : i32 {
      %mul3A_60 = arith.constant 16 : i32
      %mul3A_61 = arith.muli %scan3A_59, %mul3A_60 : i32
      %get3A = arith.index_cast %mul3A_61 : i32 to index
      %get3A_62 = tpu.vector_load %arg9[%get3A] {strides = array<i32>} : memref<5120xi32, #tpu.memory_space<vmem>>, vector<16xi32>,
      %gather3A = tpu.vector_load_idx %arg14[%get3A_62] : memref<2048xi32, #tpu.memory_space<vmem>>[vector<16xi32>], vector<16xi32>,
      %mul3A_63 = arith.constant 16 : i32
      %mul3A_64 = arith.muli %scan3A_59, %mul3A_63 : i32
      %swap3A_65 = arith.index_cast %mul3A_64 : i32 to index
      %swap3A_66 = tpu.vector_load %arg11[%swap3A_65] {strides = array<i32>} : memref<5120xi32, #tpu.memory_space<vmem>>, vector<16xi32>,
      tpu.vector_store %arg11[%swap3A_65], %gather3A {strides = array<i32>} : memref<5120xi32, #tpu.memory_space<vmem>>, vector<16xi32>,
      %masked_sort3A = arith.constant dense<true> : vector<16xi1>
      %masked_sort3A_67 = arith.constant -2147483648 : i32
      %masked_sort3A_68 = vector.broadcast %masked_sort3A_67 : i32 to vector<16xi32>
      %masked_sort3A_69 = arith.xori %get3A_62, %masked_sort3A_68 : vector<16xi32>
      %masked_sort3A_70, %masked_sort3A_71, %masked_sort3A_72 = tpu.sort %masked_sort3A_69, %iota3A masked %masked_sort3A : (vector<16xi32>, vector<16xi32>, vector<16xi1>) -> (vector<16xi1>, vector<16xi32>, vector<16xi32>)
      %masked_sort3A_73 = arith.xori %masked_sort3A_71, %masked_sort3A_68 : vector<16xi32>
      %swap3A_74 = arith.constant 16 : index
      %swap3A_75 = tpu.vector_load %arg15[%swap3A_74] {strides = array<i32>} : memref<48xi32, #tpu.memory_space<vmem>>, vector<16xi32>,
      tpu.vector_store %arg15[%swap3A_74], %masked_sort3A_73 {strides = array<i32>} : memref<48xi32, #tpu.memory_space<vmem>>, vector<16xi32>,
      %get3A_76 = arith.constant 15 : index
      %get3A_77 = tpu.vector_load %arg15[%get3A_76] {strides = array<i32>} : memref<48xi32, #tpu.memory_space<vmem>>, vector<16xi32>,
      %get3A_78 = arith.constant 17 : index
      %get3A_79 = tpu.vector_load %arg15[%get3A_78] {strides = array<i32>} : memref<48xi32, #tpu.memory_space<vmem>>, vector<16xi32>,
      %ne3A = arith.cmpi ne, %masked_sort3A_73, %get3A_77 : vector<16xi32>
      %ne3A_80 = arith.cmpi ne, %masked_sort3A_73, %get3A_79 : vector<16xi32>
      %jit3A = arith.constant 0 : i32
      %broadcast_in_dim3A_81 = vector.broadcast %jit3A : i32 to vector<16xi32>
      %select_n3A = arith.select %ne3A, %iota3A, %broadcast_in_dim3A_81 : vector<16xi1>, vector<16xi32>
      %broadcast_in_dim3A_82 = arith.constant true
      %broadcast_in_dim3A_83 = vector.broadcast %broadcast_in_dim3A_82 : i1 to vector<16xi1>
      %masked_cummax3A = arith.constant -2147483648 : i32
      %masked_cummax3A_84 = vector.broadcast %masked_cummax3A : i32 to vector<16xi32>
      %masked_cummax3A_85 = arith.xori %select_n3A, %masked_cummax3A_84 : vector<16xi32>
      %masked_cummax3A_86 = tpu.scan <max>, %masked_cummax3A_85 masked %broadcast_in_dim3A_83 : vector<16xi32>, vector<16xi1> -> vector<16xi32>
      %masked_cummax3A_87 = arith.xori %masked_cummax3A_86, %masked_cummax3A_84 : vector<16xi32>
      %sub3A = arith.subi %iota3A, %masked_cummax3A_87 : vector<16xi32>
      %gather3A_88 = tpu.vector_load_idx %arg13[%masked_sort3A_73] : memref<2048xi32, #tpu.memory_space<vmem>>[vector<16xi32>], vector<16xi32>,
      %add3A_89 = arith.addi %gather3A_88, %sub3A : vector<16xi32>
      %add3A_90 = arith.constant 1 : i32
      %add3A_91 = vector.broadcast %add3A_90 : i32 to vector<16xi32>
      %add3A_92 = arith.addi %add3A_89, %add3A_91 : vector<16xi32>
      tpu.vector_store_idx %arg13[%masked_sort3A_73], %add3A_92 masked %ne3A_80 : memref<2048xi32, #tpu.memory_space<vmem>>[vector<16xi32>], vector<16xi32>, vector<16xi1>
      %jit3A_93 = arith.constant 8 : i32
      %div3A = arith.divsi %scan3A_59, %jit3A_93 : i32
      %sign3A = arith.constant 0 : i32
      %sign3A_94 = arith.cmpi sgt, %scan3A_59, %sign3A : i32
      %sign3A_95 = arith.extui %sign3A_94 : i1 to i32
      %sign3A_96 = arith.constant 0 : i32
      %sign3A_97 = arith.cmpi slt, %scan3A_59, %sign3A_96 : i32
      %sign3A_98 = arith.extui %sign3A_97 : i1 to i32
      %sign3A_99 = arith.subi %sign3A_95, %sign3A_98 : i32
      %sign3A_100 = arith.constant 0 : i32
      %sign3A_101 = arith.cmpi sgt, %jit3A_93, %sign3A_100 : i32
      %sign3A_102 = arith.extui %sign3A_101 : i1 to i32
      %sign3A_103 = arith.constant 0 : i32
      %sign3A_104 = arith.cmpi slt, %jit3A_93, %sign3A_103 : i32
      %sign3A_105 = arith.extui %sign3A_104 : i1 to i32
      %sign3A_106 = arith.subi %sign3A_102, %sign3A_105 : i32
      %ne3A_107 = arith.cmpi ne, %sign3A_99, %sign3A_106 : i32
      %rem3A = arith.remsi %scan3A_59, %jit3A_93 : i32
      %ne3A_108 = arith.constant 0 : i32
      %ne3A_109 = arith.cmpi ne, %rem3A, %ne3A_108 : i32
      %and3A = arith.andi %ne3A_107, %ne3A_109 : i1
      %sub3A_110 = arith.constant 1 : i32
      %sub3A_111 = arith.subi %div3A, %sub3A_110 : i32
      %select_n3A_112 = arith.select %and3A, %sub3A_111, %div3A : i32
      %jit3A_113 = arith.constant 8 : i32
      %eq3A = arith.constant 0 : i32
      %eq3A_114 = arith.cmpi eq, %jit3A_113, %eq3A : i32
      %jit3A_115 = arith.constant 1 : i32
      %select_n3A_116 = arith.select %eq3A_114, %jit3A_115, %jit3A_113 : i32
      %rem3A_117 = arith.remsi %scan3A_59, %select_n3A_116 : i32
      %ne3A_118 = arith.constant 0 : i32
      %ne3A_119 = arith.cmpi ne, %rem3A_117, %ne3A_118 : i32
      %lt3A = arith.constant 0 : i32
      %lt3A_120 = arith.cmpi slt, %rem3A_117, %lt3A : i32
      %lt3A_121 = arith.constant 0 : i32
      %lt3A_122 = arith.cmpi slt, %select_n3A_116, %lt3A_121 : i32
      %ne3A_123 = arith.xori %lt3A_120, %lt3A_122 : i1
      %and3A_124 = arith.andi %ne3A_123, %ne3A_119 : i1
      %add3A_125 = arith.addi %rem3A_117, %select_n3A_116 : i32
      %select_n3A_126 = arith.select %and3A_124, %add3A_125, %rem3A_117 : i32
      %broadcast_in_dim3A_127 = vector.broadcast %select_n3A_112 : i32 to vector<16xi32>
      %mul3A_128 = arith.constant 16 : i32
      %mul3A_129 = arith.muli %select_n3A_126, %mul3A_128 : i32
      %add3A_130 = vector.broadcast %mul3A_129 : i32 to vector<16xi32>
      %add3A_131 = arith.addi %add3A_130, %masked_sort3A_72 : vector<16xi32>
      %add3A_132 = arith.addi %gather3A_88, %sub3A : vector<16xi32>
      tpu.vector_store_idx %arg12[%broadcast_in_dim3A_127, %add3A_131], %add3A_132 : memref<40x128xi32, #tpu.memory_space<vmem>>[vector<16xi32>, vector<16xi32>], vector<16xi32>,
    }
    %scan3A_11 = arith.constant 320 : i32
    %scan3A_12 = arith.constant 0 : i32
    %scan3A_13 = arith.constant 0 : i32
    %scan3A_14 = arith.constant 40 : i32
    %scan3A_15 = arith.addi %scan3A_13, %scan3A_14 : i32
    %scan3A_16 = arith.constant 1 : i32
    scf.for %scan3A_59 = %scan3A_13 to %scan3A_15 step %scan3A_16  : i32 {
      %mul3A_60 = arith.constant 128 : i32
      %mul3A_61 = arith.muli %scan3A_59, %mul3A_60 : i32
      %dma_start3A = arith.constant 0 : i32
      %dma_start3A_62 = tpu.memref_slice %arg16[%mul3A_61, %dma_start3A] : memref<5120x16xf32, #tpu.memory_space<vmem>> -> memref<128x16xf32, #tpu.memory_space<vmem>>
      %dma_start3A_63 = tpu.memref_slice %arg10[%mul3A_61] : memref<5120xi32, #tpu.memory_space<vmem>> -> memref<128xi32, #tpu.memory_space<vmem>>
      %dma_start3A_64 = arith.constant 0 : i32
      %dma_start3A_65 = arith.constant 0 : i32
      %dma_start3A_66 = tpu.memref_slice %arg5[%dma_start3A_64, %dma_start3A_65] : memref<10000x16xf32, #tpu.memory_space<hbm>> -> memref<10000x16xf32, #tpu.memory_space<hbm>>
      tpu.enqueue_indirect_dma source(%dma_start3A_66 : memref<10000x16xf32, #tpu.memory_space<hbm>>) target(%dma_start3A_62 : memref<128x16xf32, #tpu.memory_space<vmem>>) offsets(%dma_start3A_63 : memref<128xi32, #tpu.memory_space<vmem>>) semaphore(%arg17 : memref<!tpu.dma_semaphore, #tpu.memory_space<semaphore_mem>>)
    }
    %scan3A_17 = arith.constant 40 : i32
    %dma_wait3A = arith.constant 0 : i32
    %dma_wait3A_18 = arith.constant 0 : i32
    %dma_wait3A_19 = tpu.memref_slice %arg5[%dma_wait3A, %dma_wait3A_18] : memref<10000x16xf32, #tpu.memory_space<hbm>> -> memref<5120x16xf32, #tpu.memory_space<hbm>>
    %dma_wait3A_20 = arith.constant 0 : i32
    %dma_wait3A_21 = arith.constant 0 : i32
    %dma_wait3A_22 = tpu.memref_slice %arg5[%dma_wait3A_20, %dma_wait3A_21] : memref<10000x16xf32, #tpu.memory_space<hbm>> -> memref<5120x16xf32, #tpu.memory_space<hbm>>
    tpu.wait_dma2 semaphore(%arg17 : memref<!tpu.dma_semaphore, #tpu.memory_space<semaphore_mem>>) src(%dma_wait3A_22 : memref<5120x16xf32, #tpu.memory_space<hbm>>) dst(%arg16 : memref<5120x16xf32, #tpu.memory_space<vmem>>)
    %scan3A_23 = arith.constant 0 : i32
    %scan3A_24 = arith.constant 0 : i32
    %scan3A_25 = arith.constant 40 : i32
    %scan3A_26 = arith.addi %scan3A_24, %scan3A_25 : i32
    %scan3A_27 = arith.constant 1 : i32
    scf.for %scan3A_59 = %scan3A_24 to %scan3A_26 step %scan3A_27  : i32 {
      %mul3A_60 = arith.constant 128 : i32
      %mul3A_61 = arith.muli %scan3A_59, %mul3A_60 : i32
      %dma_start3A = arith.constant 0 : i32
      %dma_start3A_62 = tpu.memref_slice %arg16[%mul3A_61, %dma_start3A] : memref<5120x16xf32, #tpu.memory_space<vmem>> -> memref<128x16xf32, #tpu.memory_space<vmem>>
      %dma_start3A_63 = arith.constant 0 : i32
      %dma_start3A_64 = tpu.memref_slice %arg12[%scan3A_59, %dma_start3A_63] : memref<40x128xi32, #tpu.memory_space<vmem>> -> memref<1x128xi32, #tpu.memory_space<vmem>>
      %dma_start3A_65 = tpu.memref_squeeze %dma_start3A_64 : memref<1x128xi32, #tpu.memory_space<vmem>> -> memref<128xi32, #tpu.memory_space<vmem>>
      %dma_start3A_66 = arith.constant 0 : i32
      %dma_start3A_67 = arith.constant 0 : i32
      %dma_start3A_68 = tpu.memref_slice %arg7[%dma_start3A_66, %dma_start3A_67] : memref<178176x16xf32, #tpu.memory_space<hbm>> -> memref<178176x16xf32, #tpu.memory_space<hbm>>
      tpu.enqueue_indirect_dma source(%dma_start3A_62 : memref<128x16xf32, #tpu.memory_space<vmem>>) target(%dma_start3A_68 : memref<178176x16xf32, #tpu.memory_space<hbm>>) offsets(%dma_start3A_65 : memref<128xi32, #tpu.memory_space<vmem>>) semaphore(%arg17 : memref<!tpu.dma_semaphore, #tpu.memory_space<semaphore_mem>>)
    }
    %scan3A_28 = arith.constant 40 : i32
    %dma_wait3A_29 = arith.constant 0 : i32
    %dma_wait3A_30 = arith.constant 0 : i32
    %dma_wait3A_31 = tpu.memref_slice %arg7[%dma_wait3A_29, %dma_wait3A_30] : memref<178176x16xf32, #tpu.memory_space<hbm>> -> memref<5120x16xf32, #tpu.memory_space<hbm>>
    %dma_wait3A_32 = arith.constant 0 : i32
    %dma_wait3A_33 = arith.constant 0 : i32
    %dma_wait3A_34 = tpu.memref_slice %arg7[%dma_wait3A_32, %dma_wait3A_33] : memref<178176x16xf32, #tpu.memory_space<hbm>> -> memref<5120x16xf32, #tpu.memory_space<hbm>>
    tpu.wait_dma2 semaphore(%arg17 : memref<!tpu.dma_semaphore, #tpu.memory_space<semaphore_mem>>) src(%dma_wait3A_34 : memref<5120x16xf32, #tpu.memory_space<hbm>>) dst(%arg16 : memref<5120x16xf32, #tpu.memory_space<vmem>>)
    %scan3A_35 = arith.constant 0 : i32
    %scan3A_36 = arith.constant 0 : i32
    %scan3A_37 = arith.constant 40 : i32
    %scan3A_38 = arith.addi %scan3A_36, %scan3A_37 : i32
    %scan3A_39 = arith.constant 1 : i32
    scf.for %scan3A_59 = %scan3A_36 to %scan3A_38 step %scan3A_39  : i32 {
      %mul3A_60 = arith.constant 128 : i32
      %mul3A_61 = arith.muli %scan3A_59, %mul3A_60 : i32
      %dma_start3A = arith.constant 0 : i32
      %dma_start3A_62 = tpu.memref_slice %arg16[%mul3A_61, %dma_start3A] : memref<5120x16xf32, #tpu.memory_space<vmem>> -> memref<128x16xf32, #tpu.memory_space<vmem>>
      %dma_start3A_63 = tpu.memref_slice %arg11[%mul3A_61] : memref<5120xi32, #tpu.memory_space<vmem>> -> memref<128xi32, #tpu.memory_space<vmem>>
      %dma_start3A_64 = arith.constant 0 : i32
      %dma_start3A_65 = arith.constant 0 : i32
      %dma_start3A_66 = tpu.memref_slice %arg5[%dma_start3A_64, %dma_start3A_65] : memref<10000x16xf32, #tpu.memory_space<hbm>> -> memref<10000x16xf32, #tpu.memory_space<hbm>>
      tpu.enqueue_indirect_dma source(%dma_start3A_66 : memref<10000x16xf32, #tpu.memory_space<hbm>>) target(%dma_start3A_62 : memref<128x16xf32, #tpu.memory_space<vmem>>) offsets(%dma_start3A_63 : memref<128xi32, #tpu.memory_space<vmem>>) semaphore(%arg17 : memref<!tpu.dma_semaphore, #tpu.memory_space<semaphore_mem>>)
    }
    %scan3A_40 = arith.constant 40 : i32
    %dma_wait3A_41 = arith.constant 0 : i32
    %dma_wait3A_42 = arith.constant 0 : i32
    %dma_wait3A_43 = tpu.memref_slice %arg5[%dma_wait3A_41, %dma_wait3A_42] : memref<10000x16xf32, #tpu.memory_space<hbm>> -> memref<5120x16xf32, #tpu.memory_space<hbm>>
    %dma_wait3A_44 = arith.constant 0 : i32
    %dma_wait3A_45 = arith.constant 0 : i32
    %dma_wait3A_46 = tpu.memref_slice %arg5[%dma_wait3A_44, %dma_wait3A_45] : memref<10000x16xf32, #tpu.memory_space<hbm>> -> memref<5120x16xf32, #tpu.memory_space<hbm>>
    tpu.wait_dma2 semaphore(%arg17 : memref<!tpu.dma_semaphore, #tpu.memory_space<semaphore_mem>>) src(%dma_wait3A_46 : memref<5120x16xf32, #tpu.memory_space<hbm>>) dst(%arg16 : memref<5120x16xf32, #tpu.memory_space<vmem>>)
    %scan3A_47 = arith.constant 0 : i32
    %scan3A_48 = arith.constant 0 : i32
    %scan3A_49 = arith.constant 40 : i32
    %scan3A_50 = arith.addi %scan3A_48, %scan3A_49 : i32
    %scan3A_51 = arith.constant 1 : i32
    scf.for %scan3A_59 = %scan3A_48 to %scan3A_50 step %scan3A_51  : i32 {
      %mul3A_60 = arith.constant 128 : i32
      %mul3A_61 = arith.muli %scan3A_59, %mul3A_60 : i32
      %dma_start3A = arith.constant 0 : i32
      %dma_start3A_62 = tpu.memref_slice %arg16[%mul3A_61, %dma_start3A] : memref<5120x16xf32, #tpu.memory_space<vmem>> -> memref<128x16xf32, #tpu.memory_space<vmem>>
      %dma_start3A_63 = arith.constant 0 : i32
      %dma_start3A_64 = tpu.memref_slice %arg12[%scan3A_59, %dma_start3A_63] : memref<40x128xi32, #tpu.memory_space<vmem>> -> memref<1x128xi32, #tpu.memory_space<vmem>>
      %dma_start3A_65 = tpu.memref_squeeze %dma_start3A_64 : memref<1x128xi32, #tpu.memory_space<vmem>> -> memref<128xi32, #tpu.memory_space<vmem>>
      %dma_start3A_66 = arith.constant 0 : i32
      %dma_start3A_67 = arith.constant 0 : i32
      %dma_start3A_68 = tpu.memref_slice %arg8[%dma_start3A_66, %dma_start3A_67] : memref<178176x16xf32, #tpu.memory_space<hbm>> -> memref<178176x16xf32, #tpu.memory_space<hbm>>
      tpu.enqueue_indirect_dma source(%dma_start3A_62 : memref<128x16xf32, #tpu.memory_space<vmem>>) target(%dma_start3A_68 : memref<178176x16xf32, #tpu.memory_space<hbm>>) offsets(%dma_start3A_65 : memref<128xi32, #tpu.memory_space<vmem>>) semaphore(%arg17 : memref<!tpu.dma_semaphore, #tpu.memory_space<semaphore_mem>>)
    }
    %scan3A_52 = arith.constant 40 : i32
    %dma_wait3A_53 = arith.constant 0 : i32
    %dma_wait3A_54 = arith.constant 0 : i32
    %dma_wait3A_55 = tpu.memref_slice %arg8[%dma_wait3A_53, %dma_wait3A_54] : memref<178176x16xf32, #tpu.memory_space<hbm>> -> memref<5120x16xf32, #tpu.memory_space<hbm>>
    %dma_wait3A_56 = arith.constant 0 : i32
    %dma_wait3A_57 = arith.constant 0 : i32
    %dma_wait3A_58 = tpu.memref_slice %arg8[%dma_wait3A_56, %dma_wait3A_57] : memref<178176x16xf32, #tpu.memory_space<hbm>> -> memref<5120x16xf32, #tpu.memory_space<hbm>>
    tpu.wait_dma2 semaphore(%arg17 : memref<!tpu.dma_semaphore, #tpu.memory_space<semaphore_mem>>) src(%dma_wait3A_58 : memref<5120x16xf32, #tpu.memory_space<hbm>>) dst(%arg16 : memref<5120x16xf32, #tpu.memory_space<vmem>>)
    return
  }
}

module attributes {stable_mosaic.version = 14 : i64} {
  func.func @body(%arg0: i32, %arg1: memref<1x2048xf32, #tpu.memory_space<vmem>>, %arg2: memref<2048x1xf32, #tpu.memory_space<vmem>>, %arg3: memref<2048x1xf32, #tpu.memory_space<vmem>>, %arg4: memref<2048x1xf32, #tpu.memory_space<vmem>>, %arg5: memref<1x256x1xi32, #tpu.memory_space<vmem>>, %arg6: memref<1x256x1xf32, #tpu.memory_space<vmem>>) attributes {dimension_semantics = [#tpu.dimension_semantics<arbitrary>], iteration_bounds = array<i64: 87>, scalar_prefetch = 0 : i64, scratch_operands = 0 : i64, tpu.core_type = #tpu.core_type<tc>, window_params = [{pipeline_mode = #tpu.pipeline_mode<synchronous>, transform_indices = @transform_0, window_bounds = array<i64: 1, 2048>}, {pipeline_mode = #tpu.pipeline_mode<synchronous>, transform_indices = @transform_1, window_bounds = array<i64: 2048, 1>}, {pipeline_mode = #tpu.pipeline_mode<synchronous>, transform_indices = @transform_2, window_bounds = array<i64: 2048, 1>}, {pipeline_mode = #tpu.pipeline_mode<synchronous>, transform_indices = @transform_3, window_bounds = array<i64: 2048, 1>}, {transform_indices = @transform_4, window_bounds = array<i64: 1, 256, 1>}, {transform_indices = @transform_5, window_bounds = array<i64: 1, 256, 1>}]} {
    %get3A = arith.constant 0 : index
    %get3A_0 = arith.constant 0 : index
    %get3A_1 = vector.load %arg1[%get3A, %get3A_0] : memref<1x2048xf32, #tpu.memory_space<vmem>>, vector<1x2048xf32>
    %iota3A = tpu.iota {dimensions = array<i32: 0>} : vector<256x1xi32>
    %mul3A = arith.constant 256 : i32
    %mul3A_2 = arith.muli %arg0, %mul3A : i32
    %add3A = vector.broadcast %mul3A_2 : i32 to vector<256x1xi32>
    %add3A_3 = arith.addi %iota3A, %add3A : vector<256x1xi32>
    %mul3A_4 = arith.constant 8 : i32
    %mul3A_5 = vector.broadcast %mul3A_4 : i32 to vector<256x1xi32>
    %mul3A_6 = arith.muli %add3A_3, %mul3A_5 : vector<256x1xi32>
    %convert_element_type3A = arith.sitofp %mul3A_6 : vector<256x1xi32> to vector<256x1xf32>
    %le3A = vector.broadcast %get3A_1 : vector<1x2048xf32> to vector<256x2048xf32>
    %le3A_7 = vector.broadcast %convert_element_type3A : vector<256x1xf32> to vector<256x2048xf32>
    %le3A_8 = arith.cmpf ole, %le3A, %le3A_7 : vector<256x2048xf32>
    %jit3A = arith.constant 1.000000e+00 : f32
    %jit3A_9 = arith.constant 0.000000e+00 : f32
    %broadcast_in_dim3A = vector.broadcast %jit3A : f32 to vector<256x2048xf32>
    %broadcast_in_dim3A_10 = vector.broadcast %jit3A_9 : f32 to vector<256x2048xf32>
    %select_n3A = arith.select %le3A_8, %broadcast_in_dim3A, %broadcast_in_dim3A_10 : vector<256x2048xi1>, vector<256x2048xf32>
    %reduce_sum3A = arith.constant dense<0.000000e+00> : vector<256xf32>
    %reduce_sum3A_11 = vector.multi_reduction <add>, %select_n3A, %reduce_sum3A [1] : vector<256x2048xf32> to vector<256xf32>
    %broadcast_in_dim3A_12 = vector.shape_cast %reduce_sum3A_11 : vector<256xf32> to vector<256x1xf32>
    %sub3A = arith.constant 1.000000e+00 : f32
    %sub3A_13 = vector.broadcast %sub3A : f32 to vector<256x1xf32>
    %sub3A_14 = arith.subf %broadcast_in_dim3A_12, %sub3A_13 : vector<256x1xf32>
    %iota3A_15 = tpu.iota {dimensions = array<i32: 1>} : vector<1x2048xi32>
    %convert_element_type3A_16 = arith.sitofp %iota3A_15 : vector<1x2048xi32> to vector<1x2048xf32>
    %eq3A = vector.broadcast %convert_element_type3A_16 : vector<1x2048xf32> to vector<256x2048xf32>
    %eq3A_17 = vector.broadcast %sub3A_14 : vector<256x1xf32> to vector<256x2048xf32>
    %eq3A_18 = arith.cmpf oeq, %eq3A, %eq3A_17 : vector<256x2048xf32>
    %jit3A_19 = arith.constant 1.000000e+00 : f32
    %jit3A_20 = arith.constant 0.000000e+00 : f32
    %broadcast_in_dim3A_21 = vector.broadcast %jit3A_19 : f32 to vector<256x2048xf32>
    %broadcast_in_dim3A_22 = vector.broadcast %jit3A_20 : f32 to vector<256x2048xf32>
    %select_n3A_23 = arith.select %eq3A_18, %broadcast_in_dim3A_21, %broadcast_in_dim3A_22 : vector<256x2048xi1>, vector<256x2048xf32>
    %get3A_24 = arith.constant 0 : index
    %get3A_25 = arith.constant 0 : index
    %get3A_26 = vector.load %arg2[%get3A_24, %get3A_25] : memref<2048x1xf32, #tpu.memory_space<vmem>>, vector<2048x1xf32>
    %dot_general3A = arith.constant dense<0.000000e+00> : vector<256x1xf32>
    %dot_general3A_27 = tpu.matmul %select_n3A_23, %get3A_26, %dot_general3A {dimension_numbers = #tpu.dot_dimension_numbers<[1], [0], [0], [1], [0, 0, 1, 1], [], []>, transpose_lhs_hint = false} : vector<256x2048xf32>, vector<2048x1xf32>, vector<256x1xf32> -> vector<256x1xf32>
    %get3A_28 = arith.constant 0 : index
    %get3A_29 = arith.constant 0 : index
    %get3A_30 = vector.load %arg3[%get3A_28, %get3A_29] : memref<2048x1xf32, #tpu.memory_space<vmem>>, vector<2048x1xf32>
    %dot_general3A_31 = arith.constant dense<0.000000e+00> : vector<256x1xf32>
    %dot_general3A_32 = tpu.matmul %select_n3A_23, %get3A_30, %dot_general3A_31 {dimension_numbers = #tpu.dot_dimension_numbers<[1], [0], [0], [1], [0, 0, 1, 1], [], []>, transpose_lhs_hint = false} : vector<256x2048xf32>, vector<2048x1xf32>, vector<256x1xf32> -> vector<256x1xf32>
    %get3A_33 = arith.constant 0 : index
    %get3A_34 = arith.constant 0 : index
    %get3A_35 = vector.load %arg4[%get3A_33, %get3A_34] : memref<2048x1xf32, #tpu.memory_space<vmem>>, vector<2048x1xf32>
    %dot_general3A_36 = arith.constant dense<0.000000e+00> : vector<256x1xf32>
    %dot_general3A_37 = tpu.matmul %select_n3A_23, %get3A_35, %dot_general3A_36 {dimension_numbers = #tpu.dot_dimension_numbers<[1], [0], [0], [1], [0, 0, 1, 1], [], []>, transpose_lhs_hint = false} : vector<256x2048xf32>, vector<2048x1xf32>, vector<256x1xf32> -> vector<256x1xf32>
    %mul3A_38 = arith.constant 1.280000e+02 : f32
    %mul3A_39 = vector.broadcast %mul3A_38 : f32 to vector<256x1xf32>
    %mul3A_40 = arith.mulf %dot_general3A_37, %mul3A_39 : vector<256x1xf32>
    %add3A_41 = arith.addf %mul3A_40, %dot_general3A_32 : vector<256x1xf32>
    %mul3A_42 = arith.constant 1.280000e+02 : f32
    %mul3A_43 = vector.broadcast %mul3A_42 : f32 to vector<256x1xf32>
    %mul3A_44 = arith.mulf %add3A_41, %mul3A_43 : vector<256x1xf32>
    %add3A_45 = arith.addf %mul3A_44, %dot_general3A_27 : vector<256x1xf32>
    %convert_element_type3A_46 = arith.fptosi %sub3A_14 : vector<256x1xf32> to vector<256x1xi32>
    %broadcast_in_dim3A_47 = vector.shape_cast %convert_element_type3A_46 : vector<256x1xi32> to vector<1x256x1xi32>
    %swap3A = arith.constant 0 : index
    %swap3A_48 = arith.constant 0 : index
    %swap3A_49 = arith.constant 0 : index
    %swap3A_50 = vector.load %arg5[%swap3A, %swap3A_48, %swap3A_49] : memref<1x256x1xi32, #tpu.memory_space<vmem>>, vector<1x256x1xi32>
    tpu.vector_store %arg5[%swap3A, %swap3A_48, %swap3A_49], %broadcast_in_dim3A_47 {strides = array<i32>} : memref<1x256x1xi32, #tpu.memory_space<vmem>>, vector<1x256x1xi32>,
    %sub3A_51 = arith.subf %add3A_45, %convert_element_type3A : vector<256x1xf32>
    %jit3A_52 = arith.constant 0.000000e+00 : f32
    %jit3A_53 = arith.constant 8.000000e+00 : f32
    %max3A = vector.broadcast %jit3A_52 : f32 to vector<256x1xf32>
    %max3A_54 = arith.maximumf %max3A, %sub3A_51 : vector<256x1xf32>
    %min3A = vector.broadcast %jit3A_53 : f32 to vector<256x1xf32>
    %min3A_55 = arith.minimumf %min3A, %max3A_54 : vector<256x1xf32>
    %broadcast_in_dim3A_56 = vector.shape_cast %min3A_55 : vector<256x1xf32> to vector<1x256x1xf32>
    %swap3A_57 = arith.constant 0 : index
    %swap3A_58 = arith.constant 0 : index
    %swap3A_59 = arith.constant 0 : index
    %swap3A_60 = vector.load %arg6[%swap3A_57, %swap3A_58, %swap3A_59] : memref<1x256x1xf32, #tpu.memory_space<vmem>>, vector<1x256x1xf32>
    tpu.vector_store %arg6[%swap3A_57, %swap3A_58, %swap3A_59], %broadcast_in_dim3A_56 {strides = array<i32>} : memref<1x256x1xf32, #tpu.memory_space<vmem>>, vector<1x256x1xf32>,
    return
  }
  func.func @transform_0(%arg0: i32) -> (i32, i32) {
    %c0_i32 = arith.constant 0 : i32
    %c0_i32_0 = arith.constant 0 : i32
    %c0_i32_1 = arith.constant 0 : i32
    return %c0_i32, %c0_i32_0 : i32, i32
  }
  func.func @transform_1(%arg0: i32) -> (i32, i32) {
    %c0_i32 = arith.constant 0 : i32
    %c0_i32_0 = arith.constant 0 : i32
    %c0_i32_1 = arith.constant 0 : i32
    return %c0_i32, %c0_i32_0 : i32, i32
  }
  func.func @transform_2(%arg0: i32) -> (i32, i32) {
    %c0_i32 = arith.constant 0 : i32
    %c0_i32_0 = arith.constant 0 : i32
    %c0_i32_1 = arith.constant 0 : i32
    return %c0_i32, %c0_i32_0 : i32, i32
  }
  func.func @transform_3(%arg0: i32) -> (i32, i32) {
    %c0_i32 = arith.constant 0 : i32
    %c0_i32_0 = arith.constant 0 : i32
    %c0_i32_1 = arith.constant 0 : i32
    return %c0_i32, %c0_i32_0 : i32, i32
  }
  func.func @transform_4(%arg0: i32) -> (i32, i32, i32) {
    %c0_i32 = arith.constant 0 : i32
    %c0_i32_0 = arith.constant 0 : i32
    %c0_i32_1 = arith.constant 0 : i32
    return %arg0, %c0_i32, %c0_i32_0 : i32, i32, i32
  }
  func.func @transform_5(%arg0: i32) -> (i32, i32, i32) {
    %c0_i32 = arith.constant 0 : i32
    %c0_i32_0 = arith.constant 0 : i32
    %c0_i32_1 = arith.constant 0 : i32
    return %arg0, %c0_i32, %c0_i32_0 : i32, i32, i32
  }
}

module attributes {stable_mosaic.version = 14 : i64} {
  func.func @body(%arg0: i32, %arg1: memref<128x1xi32, #tpu.memory_space<smem>>, %arg2: memref<1024x16xf32, #tpu.memory_space<vmem>>, %arg3: memref<1024x16xf32, #tpu.memory_space<vmem>>, %arg4: memref<128x1xf32, #tpu.memory_space<vmem>>, %arg5: memref<16x64xf32, #tpu.memory_space<vmem>>, %arg6: memref<1x64xf32, #tpu.memory_space<vmem>>, %arg7: memref<64x128xf32, #tpu.memory_space<vmem>>, %arg8: memref<1x128xf32, #tpu.memory_space<vmem>>, %arg9: memref<128x512xf32, #tpu.memory_space<vmem>>, %arg10: memref<1x512xf32, #tpu.memory_space<vmem>>, %arg11: memref<2048x512xf32, #tpu.memory_space<vmem>>, %arg12: memref<128x512xf32, #tpu.memory_space<vmem>>, %arg13: memref<2048x512xf32, #tpu.memory_space<vmem>>, %arg14: memref<2048x512xf32, #tpu.memory_space<vmem>>, %arg15: memref<2048x512xf32, #tpu.memory_space<vmem>>, %arg16: memref<2048x512xf32, #tpu.memory_space<vmem>>) attributes {dimension_semantics = [#tpu.dimension_semantics<arbitrary>], iteration_bounds = array<i64: 174>, scalar_prefetch = 0 : i64, scratch_operands = 5 : i64, tpu.core_type = #tpu.core_type<tc>, window_params = [{transform_indices = @transform_0, window_bounds = array<i64: 128, 1>}, {transform_indices = @transform_1, window_bounds = array<i64: 1024, 16>}, {transform_indices = @transform_2, window_bounds = array<i64: 1024, 16>}, {transform_indices = @transform_3, window_bounds = array<i64: 128, 1>}, {pipeline_mode = #tpu.pipeline_mode<synchronous>, transform_indices = @transform_4, window_bounds = array<i64: 16, 64>}, {pipeline_mode = #tpu.pipeline_mode<synchronous>, transform_indices = @transform_5, window_bounds = array<i64: 1, 64>}, {pipeline_mode = #tpu.pipeline_mode<synchronous>, transform_indices = @transform_6, window_bounds = array<i64: 64, 128>}, {pipeline_mode = #tpu.pipeline_mode<synchronous>, transform_indices = @transform_7, window_bounds = array<i64: 1, 128>}, {pipeline_mode = #tpu.pipeline_mode<synchronous>, transform_indices = @transform_8, window_bounds = array<i64: 128, 512>}, {pipeline_mode = #tpu.pipeline_mode<synchronous>, transform_indices = @transform_9, window_bounds = array<i64: 1, 512>}, {pipeline_mode = #tpu.pipeline_mode<synchronous>, transform_indices = @transform_10, window_bounds = array<i64: 2048, 512>}]} {
    %eq3A = arith.constant 0 : i32
    %eq3A_0 = arith.cmpi eq, %arg0, %eq3A : i32
    %convert_element_type3A = arith.extui %eq3A_0 : i1 to i32
    %cond3A = arith.constant 0 : i32
    %cond3A_1 = arith.cmpi ne, %convert_element_type3A, %cond3A : i32
    scf.if %cond3A_1 {
      %broadcast_in_dim3A_74 = arith.constant 0xFF800000 : f32
      %broadcast_in_dim3A_75 = vector.broadcast %broadcast_in_dim3A_74 : f32 to vector<2048x512xf32>
      %swap3A_76 = arith.constant 0 : index
      %swap3A_77 = arith.constant 0 : index
      %swap3A_78 = vector.load %arg13[%swap3A_76, %swap3A_77] : memref<2048x512xf32, #tpu.memory_space<vmem>>, vector<2048x512xf32>
      tpu.vector_store %arg13[%swap3A_76, %swap3A_77], %broadcast_in_dim3A_75 {strides = array<i32>} : memref<2048x512xf32, #tpu.memory_space<vmem>>, vector<2048x512xf32>,
      %broadcast_in_dim3A_79 = arith.constant 0xFF800000 : f32
      %broadcast_in_dim3A_80 = vector.broadcast %broadcast_in_dim3A_79 : f32 to vector<2048x512xf32>
      %swap3A_81 = arith.constant 0 : index
      %swap3A_82 = arith.constant 0 : index
      %swap3A_83 = vector.load %arg14[%swap3A_81, %swap3A_82] : memref<2048x512xf32, #tpu.memory_space<vmem>>, vector<2048x512xf32>
      tpu.vector_store %arg14[%swap3A_81, %swap3A_82], %broadcast_in_dim3A_80 {strides = array<i32>} : memref<2048x512xf32, #tpu.memory_space<vmem>>, vector<2048x512xf32>,
      %broadcast_in_dim3A_84 = arith.constant 0xFF800000 : f32
      %broadcast_in_dim3A_85 = vector.broadcast %broadcast_in_dim3A_84 : f32 to vector<2048x512xf32>
      %swap3A_86 = arith.constant 0 : index
      %swap3A_87 = arith.constant 0 : index
      %swap3A_88 = vector.load %arg15[%swap3A_86, %swap3A_87] : memref<2048x512xf32, #tpu.memory_space<vmem>>, vector<2048x512xf32>
      tpu.vector_store %arg15[%swap3A_86, %swap3A_87], %broadcast_in_dim3A_85 {strides = array<i32>} : memref<2048x512xf32, #tpu.memory_space<vmem>>, vector<2048x512xf32>,
      %broadcast_in_dim3A_89 = arith.constant 0xFF800000 : f32
      %broadcast_in_dim3A_90 = vector.broadcast %broadcast_in_dim3A_89 : f32 to vector<2048x512xf32>
      %swap3A_91 = arith.constant 0 : index
      %swap3A_92 = arith.constant 0 : index
      %swap3A_93 = vector.load %arg16[%swap3A_91, %swap3A_92] : memref<2048x512xf32, #tpu.memory_space<vmem>>, vector<2048x512xf32>
      tpu.vector_store %arg16[%swap3A_91, %swap3A_92], %broadcast_in_dim3A_90 {strides = array<i32>} : memref<2048x512xf32, #tpu.memory_space<vmem>>, vector<2048x512xf32>,
    } else {
    }
    %get3A = arith.constant 0 : index
    %get3A_2 = arith.constant 0 : index
    %get3A_3 = vector.load %arg2[%get3A, %get3A_2] : memref<1024x16xf32, #tpu.memory_space<vmem>>, vector<1024x16xf32>
    %get3A_4 = arith.constant 0 : index
    %get3A_5 = arith.constant 0 : index
    %get3A_6 = vector.load %arg3[%get3A_4, %get3A_5] : memref<1024x16xf32, #tpu.memory_space<vmem>>, vector<1024x16xf32>
    %sub3A = arith.subf %get3A_3, %get3A_6 : vector<1024x16xf32>
    %get3A_7 = arith.constant 0 : index
    %get3A_8 = arith.constant 0 : index
    %get3A_9 = vector.load %arg5[%get3A_7, %get3A_8] : memref<16x64xf32, #tpu.memory_space<vmem>>, vector<16x64xf32>
    %dot_general3A = arith.constant dense<0.000000e+00> : vector<1024x64xf32>
    %dot_general3A_10 = tpu.matmul %sub3A, %get3A_9, %dot_general3A {dimension_numbers = #tpu.dot_dimension_numbers<[1], [0], [0], [1], [0, 0, 1, 1], [], []>, transpose_lhs_hint = false} : vector<1024x16xf32>, vector<16x64xf32>, vector<1024x64xf32> -> vector<1024x64xf32>
    %get3A_11 = arith.constant 0 : index
    %get3A_12 = arith.constant 0 : index
    %get3A_13 = vector.load %arg6[%get3A_11, %get3A_12] : memref<1x64xf32, #tpu.memory_space<vmem>>, vector<1x64xf32>
    %add3A = vector.broadcast %get3A_13 : vector<1x64xf32> to vector<1024x64xf32>
    %add3A_14 = arith.addf %dot_general3A_10, %add3A : vector<1024x64xf32>
    %gt3A = arith.constant 0.000000e+00 : f32
    %gt3A_15 = vector.broadcast %gt3A : f32 to vector<1024x64xf32>
    %gt3A_16 = arith.cmpf ogt, %add3A_14, %gt3A_15 : vector<1024x64xf32>
    %mul3A = arith.constant 2.000000e-01 : f32
    %mul3A_17 = vector.broadcast %mul3A : f32 to vector<1024x64xf32>
    %mul3A_18 = arith.mulf %mul3A_17, %add3A_14 : vector<1024x64xf32>
    %select_n3A = arith.select %gt3A_16, %add3A_14, %mul3A_18 : vector<1024x64xi1>, vector<1024x64xf32>
    %get3A_19 = arith.constant 0 : index
    %get3A_20 = arith.constant 0 : index
    %get3A_21 = vector.load %arg7[%get3A_19, %get3A_20] : memref<64x128xf32, #tpu.memory_space<vmem>>, vector<64x128xf32>
    %dot_general3A_22 = arith.constant dense<0.000000e+00> : vector<1024x128xf32>
    %dot_general3A_23 = tpu.matmul %select_n3A, %get3A_21, %dot_general3A_22 {dimension_numbers = #tpu.dot_dimension_numbers<[1], [0], [0], [1], [0, 0, 1, 1], [], []>, transpose_lhs_hint = false} : vector<1024x64xf32>, vector<64x128xf32>, vector<1024x128xf32> -> vector<1024x128xf32>
    %get3A_24 = arith.constant 0 : index
    %get3A_25 = arith.constant 0 : index
    %get3A_26 = vector.load %arg8[%get3A_24, %get3A_25] : memref<1x128xf32, #tpu.memory_space<vmem>>, vector<1x128xf32>
    %add3A_27 = vector.broadcast %get3A_26 : vector<1x128xf32> to vector<1024x128xf32>
    %add3A_28 = arith.addf %dot_general3A_23, %add3A_27 : vector<1024x128xf32>
    %gt3A_29 = arith.constant 0.000000e+00 : f32
    %gt3A_30 = vector.broadcast %gt3A_29 : f32 to vector<1024x128xf32>
    %gt3A_31 = arith.cmpf ogt, %add3A_28, %gt3A_30 : vector<1024x128xf32>
    %mul3A_32 = arith.constant 2.000000e-01 : f32
    %mul3A_33 = vector.broadcast %mul3A_32 : f32 to vector<1024x128xf32>
    %mul3A_34 = arith.mulf %mul3A_33, %add3A_28 : vector<1024x128xf32>
    %select_n3A_35 = arith.select %gt3A_31, %add3A_28, %mul3A_34 : vector<1024x128xi1>, vector<1024x128xf32>
    %get3A_36 = arith.constant 0 : index
    %get3A_37 = arith.constant 0 : index
    %get3A_38 = vector.load %arg9[%get3A_36, %get3A_37] : memref<128x512xf32, #tpu.memory_space<vmem>>, vector<128x512xf32>
    %dot_general3A_39 = arith.constant dense<0.000000e+00> : vector<1024x512xf32>
    %dot_general3A_40 = tpu.matmul %select_n3A_35, %get3A_38, %dot_general3A_39 {dimension_numbers = #tpu.dot_dimension_numbers<[1], [0], [0], [1], [0, 0, 1, 1], [], []>, transpose_lhs_hint = false} : vector<1024x128xf32>, vector<128x512xf32>, vector<1024x512xf32> -> vector<1024x512xf32>
    %get3A_41 = arith.constant 0 : index
    %get3A_42 = arith.constant 0 : index
    %get3A_43 = vector.load %arg10[%get3A_41, %get3A_42] : memref<1x512xf32, #tpu.memory_space<vmem>>, vector<1x512xf32>
    %add3A_44 = vector.broadcast %get3A_43 : vector<1x512xf32> to vector<1024x512xf32>
    %add3A_45 = arith.addf %dot_general3A_40, %add3A_44 : vector<1024x512xf32>
    %gt3A_46 = arith.constant 0.000000e+00 : f32
    %gt3A_47 = vector.broadcast %gt3A_46 : f32 to vector<1024x512xf32>
    %gt3A_48 = arith.cmpf ogt, %add3A_45, %gt3A_47 : vector<1024x512xf32>
    %mul3A_49 = arith.constant 2.000000e-01 : f32
    %mul3A_50 = vector.broadcast %mul3A_49 : f32 to vector<1024x512xf32>
    %mul3A_51 = arith.mulf %mul3A_50, %add3A_45 : vector<1024x512xf32>
    %select_n3A_52 = arith.select %gt3A_48, %add3A_45, %mul3A_51 : vector<1024x512xi1>, vector<1024x512xf32>
    %reshape3A = vector.shape_cast %select_n3A_52 : vector<1024x512xf32> to vector<128x8x512xf32>
    %iota3A = tpu.iota {dimensions = array<i32: 1>} : vector<128x8x1xi32>
    %convert_element_type3A_53 = arith.sitofp %iota3A : vector<128x8x1xi32> to vector<128x8x1xf32>
    %get3A_54 = arith.constant 0 : index
    %get3A_55 = arith.constant 0 : index
    %get3A_56 = vector.load %arg4[%get3A_54, %get3A_55] : memref<128x1xf32, #tpu.memory_space<vmem>>, vector<128x1xf32>
    %reshape3A_57 = vector.shape_cast %get3A_56 : vector<128x1xf32> to vector<128x1x1xf32>
    %lt3A = vector.broadcast %reshape3A_57 : vector<128x1x1xf32> to vector<128x8x1xf32>
    %lt3A_58 = arith.cmpf olt, %convert_element_type3A_53, %lt3A : vector<128x8x1xf32>
    %jit3A = arith.constant 0xFF800000 : f32
    %broadcast_in_dim3A = vector.shape_cast %lt3A_58 : vector<128x8x1xi1> to vector<128x8x1xi1>
    %broadcast_in_dim3A_59 = vector.broadcast %broadcast_in_dim3A : vector<128x8x1xi1> to vector<128x8x512xi1>
    %broadcast_in_dim3A_60 = vector.broadcast %jit3A : f32 to vector<128x8x512xf32>
    %select_n3A_61 = arith.select %broadcast_in_dim3A_59, %reshape3A, %broadcast_in_dim3A_60 : vector<128x8x512xi1>, vector<128x8x512xf32>
    %reduce_max3A = arith.constant dense<0xFF800000> : vector<128x512xf32>
    %reduce_max3A_62 = vector.multi_reduction <maximumf>, %select_n3A_61, %reduce_max3A [1] : vector<128x8x512xf32> to vector<128x512xf32>
    %swap3A = arith.constant 0 : index
    %swap3A_63 = arith.constant 0 : index
    %swap3A_64 = vector.load %arg12[%swap3A, %swap3A_63] : memref<128x512xf32, #tpu.memory_space<vmem>>, vector<128x512xf32>
    tpu.vector_store %arg12[%swap3A, %swap3A_63], %reduce_max3A_62 {strides = array<i32>} : memref<128x512xf32, #tpu.memory_space<vmem>>, vector<128x512xf32>,
    %scan3A = arith.constant 0 : i32
    %scan3A_65 = arith.constant 32 : i32
    %scan3A_66 = arith.addi %scan3A, %scan3A_65 : i32
    %scan3A_67 = arith.constant 1 : i32
    scf.for %scan3A_74 = %scan3A to %scan3A_66 step %scan3A_67  : i32 {
      %add3A_75 = arith.constant 0 : i32
      %add3A_76 = arith.addi %scan3A_74, %add3A_75 : i32
      %get3A_77 = arith.index_cast %add3A_76 : i32 to index
      %get3A_78 = arith.constant 0 : index
      %get3A_79 = memref.load %arg1[%get3A_77, %get3A_78] : memref<128x1xi32, #tpu.memory_space<smem>>
      %add3A_80 = arith.constant 0 : i32
      %add3A_81 = arith.addi %scan3A_74, %add3A_80 : i32
      %get3A_82 = arith.index_cast %add3A_81 : i32 to index
      %get3A_83 = arith.constant 0 : index
      %get3A_84 = vector.load %arg12[%get3A_82, %get3A_83] : memref<128x512xf32, #tpu.memory_space<vmem>>, vector<1x512xf32>
      %get3A_85 = arith.index_cast %get3A_79 : i32 to index
      %get3A_86 = arith.constant 0 : index
      %get3A_87 = vector.load %arg13[%get3A_85, %get3A_86] : memref<2048x512xf32, #tpu.memory_space<vmem>>, vector<1x512xf32>
      %max3A = arith.maximumf %get3A_87, %get3A_84 : vector<1x512xf32>
      %swap3A_88 = arith.index_cast %get3A_79 : i32 to index
      %swap3A_89 = arith.constant 0 : index
      %swap3A_90 = vector.load %arg13[%swap3A_88, %swap3A_89] : memref<2048x512xf32, #tpu.memory_space<vmem>>, vector<1x512xf32>
      tpu.vector_store %arg13[%swap3A_88, %swap3A_89], %max3A {strides = array<i32>} : memref<2048x512xf32, #tpu.memory_space<vmem>>, vector<1x512xf32>,
      %add3A_91 = arith.constant 32 : i32
      %add3A_92 = arith.addi %scan3A_74, %add3A_91 : i32
      %get3A_93 = arith.index_cast %add3A_92 : i32 to index
      %get3A_94 = arith.constant 0 : index
      %get3A_95 = memref.load %arg1[%get3A_93, %get3A_94] : memref<128x1xi32, #tpu.memory_space<smem>>
      %add3A_96 = arith.constant 32 : i32
      %add3A_97 = arith.addi %scan3A_74, %add3A_96 : i32
      %get3A_98 = arith.index_cast %add3A_97 : i32 to index
      %get3A_99 = arith.constant 0 : index
      %get3A_100 = vector.load %arg12[%get3A_98, %get3A_99] : memref<128x512xf32, #tpu.memory_space<vmem>>, vector<1x512xf32>
      %get3A_101 = arith.index_cast %get3A_95 : i32 to index
      %get3A_102 = arith.constant 0 : index
      %get3A_103 = vector.load %arg14[%get3A_101, %get3A_102] : memref<2048x512xf32, #tpu.memory_space<vmem>>, vector<1x512xf32>
      %max3A_104 = arith.maximumf %get3A_103, %get3A_100 : vector<1x512xf32>
      %swap3A_105 = arith.index_cast %get3A_95 : i32 to index
      %swap3A_106 = arith.constant 0 : index
      %swap3A_107 = vector.load %arg14[%swap3A_105, %swap3A_106] : memref<2048x512xf32, #tpu.memory_space<vmem>>, vector<1x512xf32>
      tpu.vector_store %arg14[%swap3A_105, %swap3A_106], %max3A_104 {strides = array<i32>} : memref<2048x512xf32, #tpu.memory_space<vmem>>, vector<1x512xf32>,
      %add3A_108 = arith.constant 64 : i32
      %add3A_109 = arith.addi %scan3A_74, %add3A_108 : i32
      %get3A_110 = arith.index_cast %add3A_109 : i32 to index
      %get3A_111 = arith.constant 0 : index
      %get3A_112 = memref.load %arg1[%get3A_110, %get3A_111] : memref<128x1xi32, #tpu.memory_space<smem>>
      %add3A_113 = arith.constant 64 : i32
      %add3A_114 = arith.addi %scan3A_74, %add3A_113 : i32
      %get3A_115 = arith.index_cast %add3A_114 : i32 to index
      %get3A_116 = arith.constant 0 : index
      %get3A_117 = vector.load %arg12[%get3A_115, %get3A_116] : memref<128x512xf32, #tpu.memory_space<vmem>>, vector<1x512xf32>
      %get3A_118 = arith.index_cast %get3A_112 : i32 to index
      %get3A_119 = arith.constant 0 : index
      %get3A_120 = vector.load %arg15[%get3A_118, %get3A_119] : memref<2048x512xf32, #tpu.memory_space<vmem>>, vector<1x512xf32>
      %max3A_121 = arith.maximumf %get3A_120, %get3A_117 : vector<1x512xf32>
      %swap3A_122 = arith.index_cast %get3A_112 : i32 to index
      %swap3A_123 = arith.constant 0 : index
      %swap3A_124 = vector.load %arg15[%swap3A_122, %swap3A_123] : memref<2048x512xf32, #tpu.memory_space<vmem>>, vector<1x512xf32>
      tpu.vector_store %arg15[%swap3A_122, %swap3A_123], %max3A_121 {strides = array<i32>} : memref<2048x512xf32, #tpu.memory_space<vmem>>, vector<1x512xf32>,
      %add3A_125 = arith.constant 96 : i32
      %add3A_126 = arith.addi %scan3A_74, %add3A_125 : i32
      %get3A_127 = arith.index_cast %add3A_126 : i32 to index
      %get3A_128 = arith.constant 0 : index
      %get3A_129 = memref.load %arg1[%get3A_127, %get3A_128] : memref<128x1xi32, #tpu.memory_space<smem>>
      %add3A_130 = arith.constant 96 : i32
      %add3A_131 = arith.addi %scan3A_74, %add3A_130 : i32
      %get3A_132 = arith.index_cast %add3A_131 : i32 to index
      %get3A_133 = arith.constant 0 : index
      %get3A_134 = vector.load %arg12[%get3A_132, %get3A_133] : memref<128x512xf32, #tpu.memory_space<vmem>>, vector<1x512xf32>
      %get3A_135 = arith.index_cast %get3A_129 : i32 to index
      %get3A_136 = arith.constant 0 : index
      %get3A_137 = vector.load %arg16[%get3A_135, %get3A_136] : memref<2048x512xf32, #tpu.memory_space<vmem>>, vector<1x512xf32>
      %max3A_138 = arith.maximumf %get3A_137, %get3A_134 : vector<1x512xf32>
      %swap3A_139 = arith.index_cast %get3A_129 : i32 to index
      %swap3A_140 = arith.constant 0 : index
      %swap3A_141 = vector.load %arg16[%swap3A_139, %swap3A_140] : memref<2048x512xf32, #tpu.memory_space<vmem>>, vector<1x512xf32>
      tpu.vector_store %arg16[%swap3A_139, %swap3A_140], %max3A_138 {strides = array<i32>} : memref<2048x512xf32, #tpu.memory_space<vmem>>, vector<1x512xf32>,
    }
    %scan3A_68 = arith.constant 32 : i32
    %eq3A_69 = arith.constant 173 : i32
    %eq3A_70 = arith.cmpi eq, %arg0, %eq3A_69 : i32
    %convert_element_type3A_71 = arith.extui %eq3A_70 : i1 to i32
    %cond3A_72 = arith.constant 0 : i32
    %cond3A_73 = arith.cmpi ne, %convert_element_type3A_71, %cond3A_72 : i32
    scf.if %cond3A_73 {
      %get3A_74 = arith.constant 0 : index
      %get3A_75 = arith.constant 0 : index
      %get3A_76 = vector.load %arg13[%get3A_74, %get3A_75] : memref<2048x512xf32, #tpu.memory_space<vmem>>, vector<2048x512xf32>
      %get3A_77 = arith.constant 0 : index
      %get3A_78 = arith.constant 0 : index
      %get3A_79 = vector.load %arg14[%get3A_77, %get3A_78] : memref<2048x512xf32, #tpu.memory_space<vmem>>, vector<2048x512xf32>
      %max3A = arith.maximumf %get3A_76, %get3A_79 : vector<2048x512xf32>
      %get3A_80 = arith.constant 0 : index
      %get3A_81 = arith.constant 0 : index
      %get3A_82 = vector.load %arg15[%get3A_80, %get3A_81] : memref<2048x512xf32, #tpu.memory_space<vmem>>, vector<2048x512xf32>
      %get3A_83 = arith.constant 0 : index
      %get3A_84 = arith.constant 0 : index
      %get3A_85 = vector.load %arg16[%get3A_83, %get3A_84] : memref<2048x512xf32, #tpu.memory_space<vmem>>, vector<2048x512xf32>
      %max3A_86 = arith.maximumf %get3A_82, %get3A_85 : vector<2048x512xf32>
      %max3A_87 = arith.maximumf %max3A, %max3A_86 : vector<2048x512xf32>
      %swap3A_88 = arith.constant 0 : index
      %swap3A_89 = arith.constant 0 : index
      %swap3A_90 = vector.load %arg11[%swap3A_88, %swap3A_89] : memref<2048x512xf32, #tpu.memory_space<vmem>>, vector<2048x512xf32>
      tpu.vector_store %arg11[%swap3A_88, %swap3A_89], %max3A_87 {strides = array<i32>} : memref<2048x512xf32, #tpu.memory_space<vmem>>, vector<2048x512xf32>,
    } else {
    }
    return
  }
  func.func @transform_0(%arg0: i32) -> (i32, i32) {
    %c0_i32 = arith.constant 0 : i32
    %c0_i32_0 = arith.constant 0 : i32
    return %arg0, %c0_i32 : i32, i32
  }
  func.func @transform_1(%arg0: i32) -> (i32, i32) {
    %c0_i32 = arith.constant 0 : i32
    %c0_i32_0 = arith.constant 0 : i32
    return %arg0, %c0_i32 : i32, i32
  }
  func.func @transform_2(%arg0: i32) -> (i32, i32) {
    %c0_i32 = arith.constant 0 : i32
    %c0_i32_0 = arith.constant 0 : i32
    return %arg0, %c0_i32 : i32, i32
  }
  func.func @transform_3(%arg0: i32) -> (i32, i32) {
    %c0_i32 = arith.constant 0 : i32
    %c0_i32_0 = arith.constant 0 : i32
    return %arg0, %c0_i32 : i32, i32
  }
  func.func @transform_4(%arg0: i32) -> (i32, i32) {
    %c0_i32 = arith.constant 0 : i32
    %c0_i32_0 = arith.constant 0 : i32
    %c0_i32_1 = arith.constant 0 : i32
    return %c0_i32, %c0_i32_0 : i32, i32
  }
  func.func @transform_5(%arg0: i32) -> (i32, i32) {
    %c0_i32 = arith.constant 0 : i32
    %c0_i32_0 = arith.constant 0 : i32
    %c0_i32_1 = arith.constant 0 : i32
    return %c0_i32, %c0_i32_0 : i32, i32
  }
  func.func @transform_6(%arg0: i32) -> (i32, i32) {
    %c0_i32 = arith.constant 0 : i32
    %c0_i32_0 = arith.constant 0 : i32
    %c0_i32_1 = arith.constant 0 : i32
    return %c0_i32, %c0_i32_0 : i32, i32
  }
  func.func @transform_7(%arg0: i32) -> (i32, i32) {
    %c0_i32 = arith.constant 0 : i32
    %c0_i32_0 = arith.constant 0 : i32
    %c0_i32_1 = arith.constant 0 : i32
    return %c0_i32, %c0_i32_0 : i32, i32
  }
  func.func @transform_8(%arg0: i32) -> (i32, i32) {
    %c0_i32 = arith.constant 0 : i32
    %c0_i32_0 = arith.constant 0 : i32
    %c0_i32_1 = arith.constant 0 : i32
    return %c0_i32, %c0_i32_0 : i32, i32
  }
  func.func @transform_9(%arg0: i32) -> (i32, i32) {
    %c0_i32 = arith.constant 0 : i32
    %c0_i32_0 = arith.constant 0 : i32
    %c0_i32_1 = arith.constant 0 : i32
    return %c0_i32, %c0_i32_0 : i32, i32
  }
  func.func @transform_10(%arg0: i32) -> (i32, i32) {
    %c0_i32 = arith.constant 0 : i32
    %c0_i32_0 = arith.constant 0 : i32
    %c0_i32_1 = arith.constant 0 : i32
    return %c0_i32, %c0_i32_0 : i32, i32
  }
}

module attributes {stable_mosaic.version = 14 : i64} {
  func.func @body(%arg0: i32, %arg1: memref<2048x512xf32, #tpu.memory_space<vmem>>, %arg2: memref<2048x16xf32, #tpu.memory_space<vmem>>, %arg3: memref<512x512xf32, #tpu.memory_space<vmem>>, %arg4: memref<16x512xf32, #tpu.memory_space<vmem>>, %arg5: memref<1x512xf32, #tpu.memory_space<vmem>>, %arg6: memref<512x1024xf32, #tpu.memory_space<vmem>>, %arg7: memref<1x1024xf32, #tpu.memory_space<vmem>>, %arg8: memref<8x512xf32, #tpu.memory_space<vmem>>, %arg9: memref<2048x512xf32, #tpu.memory_space<vmem>>, %arg10: memref<2048x512xf32, #tpu.memory_space<vmem>>, %arg11: memref<2048x1xf32, #tpu.memory_space<vmem>>) attributes {dimension_semantics = [#tpu.dimension_semantics<arbitrary>], iteration_bounds = array<i64: 1>, scalar_prefetch = 0 : i64, scratch_operands = 3 : i64, tpu.core_type = #tpu.core_type<tc>, window_params = [{pipeline_mode = #tpu.pipeline_mode<synchronous>, transform_indices = @transform_0, window_bounds = array<i64: 2048, 512>}, {pipeline_mode = #tpu.pipeline_mode<synchronous>, transform_indices = @transform_1, window_bounds = array<i64: 2048, 16>}, {pipeline_mode = #tpu.pipeline_mode<synchronous>, transform_indices = @transform_2, window_bounds = array<i64: 512, 512>}, {pipeline_mode = #tpu.pipeline_mode<synchronous>, transform_indices = @transform_3, window_bounds = array<i64: 16, 512>}, {pipeline_mode = #tpu.pipeline_mode<synchronous>, transform_indices = @transform_4, window_bounds = array<i64: 1, 512>}, {pipeline_mode = #tpu.pipeline_mode<synchronous>, transform_indices = @transform_5, window_bounds = array<i64: 512, 1024>}, {pipeline_mode = #tpu.pipeline_mode<synchronous>, transform_indices = @transform_6, window_bounds = array<i64: 1, 1024>}, {pipeline_mode = #tpu.pipeline_mode<synchronous>, transform_indices = @transform_7, window_bounds = array<i64: 8, 512>}]} {
    %get3A = arith.constant 0 : index
    %get3A_0 = arith.constant 0 : index
    %get3A_1 = vector.load %arg1[%get3A, %get3A_0] : memref<2048x512xf32, #tpu.memory_space<vmem>>, vector<2048x512xf32>
    %lt3A = arith.constant -1.000000e+30 : f32
    %lt3A_2 = vector.broadcast %lt3A : f32 to vector<2048x512xf32>
    %lt3A_3 = arith.cmpf olt, %get3A_1, %lt3A_2 : vector<2048x512xf32>
    %jit3A = arith.constant 0.000000e+00 : f32
    %broadcast_in_dim3A = vector.broadcast %jit3A : f32 to vector<2048x512xf32>
    %select_n3A = arith.select %lt3A_3, %broadcast_in_dim3A, %get3A_1 : vector<2048x512xi1>, vector<2048x512xf32>
    %get3A_4 = arith.constant 0 : index
    %get3A_5 = arith.constant 0 : index
    %get3A_6 = vector.load %arg2[%get3A_4, %get3A_5] : memref<2048x16xf32, #tpu.memory_space<vmem>>, vector<2048x16xf32>
    %get3A_7 = arith.constant 0 : index
    %get3A_8 = arith.constant 0 : index
    %get3A_9 = vector.load %arg3[%get3A_7, %get3A_8] : memref<512x512xf32, #tpu.memory_space<vmem>>, vector<512x512xf32>
    %dot_general3A = arith.constant dense<0.000000e+00> : vector<2048x512xf32>
    %dot_general3A_10 = tpu.matmul %select_n3A, %get3A_9, %dot_general3A {dimension_numbers = #tpu.dot_dimension_numbers<[1], [0], [0], [1], [0, 0, 1, 1], [], []>, transpose_lhs_hint = false} : vector<2048x512xf32>, vector<512x512xf32>, vector<2048x512xf32> -> vector<2048x512xf32>
    %get3A_11 = arith.constant 0 : index
    %get3A_12 = arith.constant 0 : index
    %get3A_13 = vector.load %arg4[%get3A_11, %get3A_12] : memref<16x512xf32, #tpu.memory_space<vmem>>, vector<16x512xf32>
    %dot_general3A_14 = arith.constant dense<0.000000e+00> : vector<2048x512xf32>
    %dot_general3A_15 = tpu.matmul %get3A_6, %get3A_13, %dot_general3A_14 {dimension_numbers = #tpu.dot_dimension_numbers<[1], [0], [0], [1], [0, 0, 1, 1], [], []>, transpose_lhs_hint = false} : vector<2048x16xf32>, vector<16x512xf32>, vector<2048x512xf32> -> vector<2048x512xf32>
    %add3A = arith.addf %dot_general3A_10, %dot_general3A_15 : vector<2048x512xf32>
    %get3A_16 = arith.constant 0 : index
    %get3A_17 = arith.constant 0 : index
    %get3A_18 = vector.load %arg5[%get3A_16, %get3A_17] : memref<1x512xf32, #tpu.memory_space<vmem>>, vector<1x512xf32>
    %add3A_19 = vector.broadcast %get3A_18 : vector<1x512xf32> to vector<2048x512xf32>
    %add3A_20 = arith.addf %add3A, %add3A_19 : vector<2048x512xf32>
    %gt3A = arith.constant 0.000000e+00 : f32
    %gt3A_21 = vector.broadcast %gt3A : f32 to vector<2048x512xf32>
    %gt3A_22 = arith.cmpf ogt, %add3A_20, %gt3A_21 : vector<2048x512xf32>
    %mul3A = arith.constant 2.000000e-01 : f32
    %mul3A_23 = vector.broadcast %mul3A : f32 to vector<2048x512xf32>
    %mul3A_24 = arith.mulf %mul3A_23, %add3A_20 : vector<2048x512xf32>
    %select_n3A_25 = arith.select %gt3A_22, %add3A_20, %mul3A_24 : vector<2048x512xi1>, vector<2048x512xf32>
    %get3A_26 = arith.constant 0 : index
    %get3A_27 = arith.constant 0 : index
    %get3A_28 = vector.load %arg6[%get3A_26, %get3A_27] : memref<512x1024xf32, #tpu.memory_space<vmem>>, vector<512x1024xf32>
    %dot_general3A_29 = arith.constant dense<0.000000e+00> : vector<2048x1024xf32>
    %dot_general3A_30 = tpu.matmul %select_n3A_25, %get3A_28, %dot_general3A_29 {dimension_numbers = #tpu.dot_dimension_numbers<[1], [0], [0], [1], [0, 0, 1, 1], [], []>, transpose_lhs_hint = false} : vector<2048x512xf32>, vector<512x1024xf32>, vector<2048x1024xf32> -> vector<2048x1024xf32>
    %get3A_31 = arith.constant 0 : index
    %get3A_32 = arith.constant 0 : index
    %get3A_33 = vector.load %arg7[%get3A_31, %get3A_32] : memref<1x1024xf32, #tpu.memory_space<vmem>>, vector<1x1024xf32>
    %add3A_34 = vector.broadcast %get3A_33 : vector<1x1024xf32> to vector<2048x1024xf32>
    %add3A_35 = arith.addf %dot_general3A_30, %add3A_34 : vector<2048x1024xf32>
    %slice3A = vector.extract_strided_slice %add3A_35 {offsets = [0, 0], sizes = [2048, 512], strides = [1, 1]} : vector<2048x1024xf32> to vector<2048x512xf32>
    %slice3A_36 = vector.extract_strided_slice %add3A_35 {offsets = [0, 512], sizes = [2048, 512], strides = [1, 1]} : vector<2048x1024xf32> to vector<2048x512xf32>
    %mul3A_37 = arith.constant -5.000000e-01 : f32
    %mul3A_38 = vector.broadcast %mul3A_37 : f32 to vector<2048x512xf32>
    %mul3A_39 = arith.mulf %mul3A_38, %slice3A_36 : vector<2048x512xf32>
    %exp3A = math.exp %mul3A_39 : vector<2048x512xf32>
    %mul3A_40 = arith.constant 5.000000e-01 : f32
    %mul3A_41 = vector.broadcast %mul3A_40 : f32 to vector<2048x512xf32>
    %mul3A_42 = arith.mulf %mul3A_41, %slice3A_36 : vector<2048x512xf32>
    %exp3A_43 = math.exp %mul3A_42 : vector<2048x512xf32>
    %mul3A_44 = arith.mulf %slice3A, %exp3A : vector<2048x512xf32>
    %swap3A = arith.constant 0 : index
    %swap3A_45 = arith.constant 0 : index
    %swap3A_46 = vector.load %arg9[%swap3A, %swap3A_45] : memref<2048x512xf32, #tpu.memory_space<vmem>>, vector<2048x512xf32>
    tpu.vector_store %arg9[%swap3A, %swap3A_45], %mul3A_44 {strides = array<i32>} : memref<2048x512xf32, #tpu.memory_space<vmem>>, vector<2048x512xf32>,
    %swap3A_47 = arith.constant 0 : index
    %swap3A_48 = arith.constant 0 : index
    %swap3A_49 = vector.load %arg10[%swap3A_47, %swap3A_48] : memref<2048x512xf32, #tpu.memory_space<vmem>>, vector<2048x512xf32>
    tpu.vector_store %arg10[%swap3A_47, %swap3A_48], %exp3A {strides = array<i32>} : memref<2048x512xf32, #tpu.memory_space<vmem>>, vector<2048x512xf32>,
    %reduce_sum3A = arith.constant dense<0.000000e+00> : vector<2048xf32>
    %reduce_sum3A_50 = vector.multi_reduction <add>, %exp3A_43, %reduce_sum3A [1] : vector<2048x512xf32> to vector<2048xf32>
    %broadcast_in_dim3A_51 = vector.shape_cast %reduce_sum3A_50 : vector<2048xf32> to vector<2048x1xf32>
    %div3A = arith.constant 5.120000e+02 : f32
    %div3A_52 = vector.broadcast %div3A : f32 to vector<2048x1xf32>
    %div3A_53 = arith.divf %broadcast_in_dim3A_51, %div3A_52 : vector<2048x1xf32>
    %iota3A = tpu.iota {dimensions = array<i32: 0>} : vector<2048x1xi32>
    %slice3A_54 = vector.extract_strided_slice %get3A_6 {offsets = [0, 3], sizes = [2048, 1], strides = [1, 1]} : vector<2048x16xf32> to vector<2048x1xf32>
    %lt3A_55 = arith.constant 2000 : i32
    %lt3A_56 = vector.broadcast %lt3A_55 : i32 to vector<2048x1xi32>
    %lt3A_57 = arith.cmpi slt, %iota3A, %lt3A_56 : vector<2048x1xi32>
    %eq3A = arith.constant 0.000000e+00 : f32
    %eq3A_58 = vector.broadcast %eq3A : f32 to vector<2048x1xf32>
    %eq3A_59 = arith.cmpf oeq, %slice3A_54, %eq3A_58 : vector<2048x1xf32>
    %and3A = arith.andi %lt3A_57, %eq3A_59 : vector<2048x1xi1>
    %jit3A_60 = arith.constant 0x7F800000 : f32
    %broadcast_in_dim3A_61 = vector.broadcast %jit3A_60 : f32 to vector<2048x1xf32>
    %select_n3A_62 = arith.select %and3A, %div3A_53, %broadcast_in_dim3A_61 : vector<2048x1xi1>, vector<2048x1xf32>
    %swap3A_63 = arith.constant 0 : index
    %swap3A_64 = arith.constant 0 : index
    %swap3A_65 = vector.load %arg11[%swap3A_63, %swap3A_64] : memref<2048x1xf32, #tpu.memory_space<vmem>>, vector<2048x1xf32>
    tpu.vector_store %arg11[%swap3A_63, %swap3A_64], %select_n3A_62 {strides = array<i32>} : memref<2048x1xf32, #tpu.memory_space<vmem>>, vector<2048x1xf32>,
    %broadcast_in_dim3A_66 = arith.constant 0.000000e+00 : f32
    %broadcast_in_dim3A_67 = vector.broadcast %broadcast_in_dim3A_66 : f32 to vector<1x512xf32>
    %broadcast_in_dim3A_68 = arith.constant 0.000000e+00 : f32
    %broadcast_in_dim3A_69 = vector.broadcast %broadcast_in_dim3A_68 : f32 to vector<1x512xf32>
    %scan3A = arith.constant 0 : i32
    %scan3A_70 = arith.constant 10 : i32
    %scan3A_71 = arith.addi %scan3A, %scan3A_70 : i32
    %scan3A_72 = arith.constant 1 : i32
    %scan3A_73:2 = scf.for %scan3A_239 = %scan3A to %scan3A_71 step %scan3A_72 iter_args(%scan3A_240 = %broadcast_in_dim3A_67, %scan3A_241 = %broadcast_in_dim3A_69) -> (vector<1x512xf32>, vector<1x512xf32>)  : i32 {
      %get3A_242 = arith.constant 0 : index
      %get3A_243 = arith.constant 0 : index
      %get3A_244 = vector.load %arg11[%get3A_242, %get3A_243] : memref<2048x1xf32, #tpu.memory_space<vmem>>, vector<2048x1xf32>
      %reduce_min3A = vector.shape_cast %get3A_244 : vector<2048x1xf32> to vector<1x2048x1xf32>
      %reduce_min3A_245 = arith.constant dense<0x7F800000> : vector<1xf32>
      %reduce_min3A_246 = vector.multi_reduction <minimumf>, %reduce_min3A, %reduce_min3A_245 [1, 2] : vector<1x2048x1xf32> to vector<1xf32>
      %reduce_min3A_247 = vector.shape_cast %reduce_min3A_246 : vector<1xf32> to vector<1x1x1xf32>
      %reduce_min3A_248 = vector.extract %reduce_min3A_247[0, 0, 0] : f32 from vector<1x1x1xf32>
      %eq3A_249 = vector.broadcast %reduce_min3A_248 : f32 to vector<2048x1xf32>
      %eq3A_250 = arith.cmpf oeq, %get3A_244, %eq3A_249 : vector<2048x1xf32>
      %jit3A_251 = arith.constant 1073741824 : i32
      %broadcast_in_dim3A_252 = vector.broadcast %jit3A_251 : i32 to vector<2048x1xi32>
      %select_n3A_253 = arith.select %eq3A_250, %iota3A, %broadcast_in_dim3A_252 : vector<2048x1xi1>, vector<2048x1xi32>
      %reduce_min3A_254 = vector.shape_cast %select_n3A_253 : vector<2048x1xi32> to vector<1x2048x1xi32>
      %reduce_min3A_255 = arith.constant dense<2147483647> : vector<1xi32>
      %reduce_min3A_256 = vector.multi_reduction <minsi>, %reduce_min3A_254, %reduce_min3A_255 [1, 2] : vector<1x2048x1xi32> to vector<1xi32>
      %reduce_min3A_257 = vector.shape_cast %reduce_min3A_256 : vector<1xi32> to vector<1x1x1xi32>
      %reduce_min3A_258 = vector.extract %reduce_min3A_257[0, 0, 0] : i32 from vector<1x1x1xi32>
      %get3A_259 = arith.index_cast %reduce_min3A_258 : i32 to index
      %get3A_260 = arith.constant 0 : index
      %get3A_261 = vector.load %arg9[%get3A_259, %get3A_260] : memref<2048x512xf32, #tpu.memory_space<vmem>>, vector<1x512xf32>
      %add3A_262 = arith.addf %scan3A_240, %get3A_261 : vector<1x512xf32>
      %get3A_263 = arith.index_cast %reduce_min3A_258 : i32 to index
      %get3A_264 = arith.constant 0 : index
      %get3A_265 = vector.load %arg10[%get3A_263, %get3A_264] : memref<2048x512xf32, #tpu.memory_space<vmem>>, vector<1x512xf32>
      %add3A_266 = arith.addf %scan3A_241, %get3A_265 : vector<1x512xf32>
      %broadcast_in_dim3A_267 = arith.constant 0x7F800000 : f32
      %broadcast_in_dim3A_268 = vector.broadcast %broadcast_in_dim3A_267 : f32 to vector<1x1xf32>
      %swap3A_269 = arith.index_cast %reduce_min3A_258 : i32 to index
      %swap3A_270 = arith.constant 0 : index
      %swap3A_271 = vector.load %arg11[%swap3A_269, %swap3A_270] : memref<2048x1xf32, #tpu.memory_space<vmem>>, vector<1x1xf32>
      tpu.vector_store %arg11[%swap3A_269, %swap3A_270], %broadcast_in_dim3A_268 {strides = array<i32>} : memref<2048x1xf32, #tpu.memory_space<vmem>>, vector<1x1xf32>,
      scf.yield %add3A_262, %add3A_266 : vector<1x512xf32>, vector<1x512xf32>
    }
    %div3A_74 = arith.divf %scan3A_73#0, %scan3A_73#1 : vector<1x512xf32>
    %swap3A_75 = arith.constant 0 : index
    %swap3A_76 = arith.constant 0 : index
    %swap3A_77 = vector.load %arg8[%swap3A_75, %swap3A_76] : memref<8x512xf32, #tpu.memory_space<vmem>>, vector<1x512xf32>
    tpu.vector_store %arg8[%swap3A_75, %swap3A_76], %div3A_74 {strides = array<i32>} : memref<8x512xf32, #tpu.memory_space<vmem>>, vector<1x512xf32>,
    %eq3A_78 = arith.constant 1.000000e+00 : f32
    %eq3A_79 = vector.broadcast %eq3A_78 : f32 to vector<2048x1xf32>
    %eq3A_80 = arith.cmpf oeq, %slice3A_54, %eq3A_79 : vector<2048x1xf32>
    %and3A_81 = arith.andi %lt3A_57, %eq3A_80 : vector<2048x1xi1>
    %jit3A_82 = arith.constant 0x7F800000 : f32
    %broadcast_in_dim3A_83 = vector.broadcast %jit3A_82 : f32 to vector<2048x1xf32>
    %select_n3A_84 = arith.select %and3A_81, %div3A_53, %broadcast_in_dim3A_83 : vector<2048x1xi1>, vector<2048x1xf32>
    %swap3A_85 = arith.constant 0 : index
    %swap3A_86 = arith.constant 0 : index
    %swap3A_87 = vector.load %arg11[%swap3A_85, %swap3A_86] : memref<2048x1xf32, #tpu.memory_space<vmem>>, vector<2048x1xf32>
    tpu.vector_store %arg11[%swap3A_85, %swap3A_86], %select_n3A_84 {strides = array<i32>} : memref<2048x1xf32, #tpu.memory_space<vmem>>, vector<2048x1xf32>,
    %broadcast_in_dim3A_88 = arith.constant 0.000000e+00 : f32
    %broadcast_in_dim3A_89 = vector.broadcast %broadcast_in_dim3A_88 : f32 to vector<1x512xf32>
    %broadcast_in_dim3A_90 = arith.constant 0.000000e+00 : f32
    %broadcast_in_dim3A_91 = vector.broadcast %broadcast_in_dim3A_90 : f32 to vector<1x512xf32>
    %scan3A_92 = arith.constant 0 : i32
    %scan3A_93 = arith.constant 10 : i32
    %scan3A_94 = arith.addi %scan3A_92, %scan3A_93 : i32
    %scan3A_95 = arith.constant 1 : i32
    %scan3A_96:2 = scf.for %scan3A_239 = %scan3A_92 to %scan3A_94 step %scan3A_95 iter_args(%scan3A_240 = %broadcast_in_dim3A_89, %scan3A_241 = %broadcast_in_dim3A_91) -> (vector<1x512xf32>, vector<1x512xf32>)  : i32 {
      %get3A_242 = arith.constant 0 : index
      %get3A_243 = arith.constant 0 : index
      %get3A_244 = vector.load %arg11[%get3A_242, %get3A_243] : memref<2048x1xf32, #tpu.memory_space<vmem>>, vector<2048x1xf32>
      %reduce_min3A = vector.shape_cast %get3A_244 : vector<2048x1xf32> to vector<1x2048x1xf32>
      %reduce_min3A_245 = arith.constant dense<0x7F800000> : vector<1xf32>
      %reduce_min3A_246 = vector.multi_reduction <minimumf>, %reduce_min3A, %reduce_min3A_245 [1, 2] : vector<1x2048x1xf32> to vector<1xf32>
      %reduce_min3A_247 = vector.shape_cast %reduce_min3A_246 : vector<1xf32> to vector<1x1x1xf32>
      %reduce_min3A_248 = vector.extract %reduce_min3A_247[0, 0, 0] : f32 from vector<1x1x1xf32>
      %eq3A_249 = vector.broadcast %reduce_min3A_248 : f32 to vector<2048x1xf32>
      %eq3A_250 = arith.cmpf oeq, %get3A_244, %eq3A_249 : vector<2048x1xf32>
      %jit3A_251 = arith.constant 1073741824 : i32
      %broadcast_in_dim3A_252 = vector.broadcast %jit3A_251 : i32 to vector<2048x1xi32>
      %select_n3A_253 = arith.select %eq3A_250, %iota3A, %broadcast_in_dim3A_252 : vector<2048x1xi1>, vector<2048x1xi32>
      %reduce_min3A_254 = vector.shape_cast %select_n3A_253 : vector<2048x1xi32> to vector<1x2048x1xi32>
      %reduce_min3A_255 = arith.constant dense<2147483647> : vector<1xi32>
      %reduce_min3A_256 = vector.multi_reduction <minsi>, %reduce_min3A_254, %reduce_min3A_255 [1, 2] : vector<1x2048x1xi32> to vector<1xi32>
      %reduce_min3A_257 = vector.shape_cast %reduce_min3A_256 : vector<1xi32> to vector<1x1x1xi32>
      %reduce_min3A_258 = vector.extract %reduce_min3A_257[0, 0, 0] : i32 from vector<1x1x1xi32>
      %get3A_259 = arith.index_cast %reduce_min3A_258 : i32 to index
      %get3A_260 = arith.constant 0 : index
      %get3A_261 = vector.load %arg9[%get3A_259, %get3A_260] : memref<2048x512xf32, #tpu.memory_space<vmem>>, vector<1x512xf32>
      %add3A_262 = arith.addf %scan3A_240, %get3A_261 : vector<1x512xf32>
      %get3A_263 = arith.index_cast %reduce_min3A_258 : i32 to index
      %get3A_264 = arith.constant 0 : index
      %get3A_265 = vector.load %arg10[%get3A_263, %get3A_264] : memref<2048x512xf32, #tpu.memory_space<vmem>>, vector<1x512xf32>
      %add3A_266 = arith.addf %scan3A_241, %get3A_265 : vector<1x512xf32>
      %broadcast_in_dim3A_267 = arith.constant 0x7F800000 : f32
      %broadcast_in_dim3A_268 = vector.broadcast %broadcast_in_dim3A_267 : f32 to vector<1x1xf32>
      %swap3A_269 = arith.index_cast %reduce_min3A_258 : i32 to index
      %swap3A_270 = arith.constant 0 : index
      %swap3A_271 = vector.load %arg11[%swap3A_269, %swap3A_270] : memref<2048x1xf32, #tpu.memory_space<vmem>>, vector<1x1xf32>
      tpu.vector_store %arg11[%swap3A_269, %swap3A_270], %broadcast_in_dim3A_268 {strides = array<i32>} : memref<2048x1xf32, #tpu.memory_space<vmem>>, vector<1x1xf32>,
      scf.yield %add3A_262, %add3A_266 : vector<1x512xf32>, vector<1x512xf32>
    }
    %div3A_97 = arith.divf %scan3A_96#0, %scan3A_96#1 : vector<1x512xf32>
    %swap3A_98 = arith.constant 1 : index
    %swap3A_99 = arith.constant 0 : index
    %swap3A_100 = vector.load %arg8[%swap3A_98, %swap3A_99] : memref<8x512xf32, #tpu.memory_space<vmem>>, vector<1x512xf32>
    tpu.vector_store %arg8[%swap3A_98, %swap3A_99], %div3A_97 {strides = array<i32>} : memref<8x512xf32, #tpu.memory_space<vmem>>, vector<1x512xf32>,
    %eq3A_101 = arith.constant 2.000000e+00 : f32
    %eq3A_102 = vector.broadcast %eq3A_101 : f32 to vector<2048x1xf32>
    %eq3A_103 = arith.cmpf oeq, %slice3A_54, %eq3A_102 : vector<2048x1xf32>
    %and3A_104 = arith.andi %lt3A_57, %eq3A_103 : vector<2048x1xi1>
    %jit3A_105 = arith.constant 0x7F800000 : f32
    %broadcast_in_dim3A_106 = vector.broadcast %jit3A_105 : f32 to vector<2048x1xf32>
    %select_n3A_107 = arith.select %and3A_104, %div3A_53, %broadcast_in_dim3A_106 : vector<2048x1xi1>, vector<2048x1xf32>
    %swap3A_108 = arith.constant 0 : index
    %swap3A_109 = arith.constant 0 : index
    %swap3A_110 = vector.load %arg11[%swap3A_108, %swap3A_109] : memref<2048x1xf32, #tpu.memory_space<vmem>>, vector<2048x1xf32>
    tpu.vector_store %arg11[%swap3A_108, %swap3A_109], %select_n3A_107 {strides = array<i32>} : memref<2048x1xf32, #tpu.memory_space<vmem>>, vector<2048x1xf32>,
    %broadcast_in_dim3A_111 = arith.constant 0.000000e+00 : f32
    %broadcast_in_dim3A_112 = vector.broadcast %broadcast_in_dim3A_111 : f32 to vector<1x512xf32>
    %broadcast_in_dim3A_113 = arith.constant 0.000000e+00 : f32
    %broadcast_in_dim3A_114 = vector.broadcast %broadcast_in_dim3A_113 : f32 to vector<1x512xf32>
    %scan3A_115 = arith.constant 0 : i32
    %scan3A_116 = arith.constant 10 : i32
    %scan3A_117 = arith.addi %scan3A_115, %scan3A_116 : i32
    %scan3A_118 = arith.constant 1 : i32
    %scan3A_119:2 = scf.for %scan3A_239 = %scan3A_115 to %scan3A_117 step %scan3A_118 iter_args(%scan3A_240 = %broadcast_in_dim3A_112, %scan3A_241 = %broadcast_in_dim3A_114) -> (vector<1x512xf32>, vector<1x512xf32>)  : i32 {
      %get3A_242 = arith.constant 0 : index
      %get3A_243 = arith.constant 0 : index
      %get3A_244 = vector.load %arg11[%get3A_242, %get3A_243] : memref<2048x1xf32, #tpu.memory_space<vmem>>, vector<2048x1xf32>
      %reduce_min3A = vector.shape_cast %get3A_244 : vector<2048x1xf32> to vector<1x2048x1xf32>
      %reduce_min3A_245 = arith.constant dense<0x7F800000> : vector<1xf32>
      %reduce_min3A_246 = vector.multi_reduction <minimumf>, %reduce_min3A, %reduce_min3A_245 [1, 2] : vector<1x2048x1xf32> to vector<1xf32>
      %reduce_min3A_247 = vector.shape_cast %reduce_min3A_246 : vector<1xf32> to vector<1x1x1xf32>
      %reduce_min3A_248 = vector.extract %reduce_min3A_247[0, 0, 0] : f32 from vector<1x1x1xf32>
      %eq3A_249 = vector.broadcast %reduce_min3A_248 : f32 to vector<2048x1xf32>
      %eq3A_250 = arith.cmpf oeq, %get3A_244, %eq3A_249 : vector<2048x1xf32>
      %jit3A_251 = arith.constant 1073741824 : i32
      %broadcast_in_dim3A_252 = vector.broadcast %jit3A_251 : i32 to vector<2048x1xi32>
      %select_n3A_253 = arith.select %eq3A_250, %iota3A, %broadcast_in_dim3A_252 : vector<2048x1xi1>, vector<2048x1xi32>
      %reduce_min3A_254 = vector.shape_cast %select_n3A_253 : vector<2048x1xi32> to vector<1x2048x1xi32>
      %reduce_min3A_255 = arith.constant dense<2147483647> : vector<1xi32>
      %reduce_min3A_256 = vector.multi_reduction <minsi>, %reduce_min3A_254, %reduce_min3A_255 [1, 2] : vector<1x2048x1xi32> to vector<1xi32>
      %reduce_min3A_257 = vector.shape_cast %reduce_min3A_256 : vector<1xi32> to vector<1x1x1xi32>
      %reduce_min3A_258 = vector.extract %reduce_min3A_257[0, 0, 0] : i32 from vector<1x1x1xi32>
      %get3A_259 = arith.index_cast %reduce_min3A_258 : i32 to index
      %get3A_260 = arith.constant 0 : index
      %get3A_261 = vector.load %arg9[%get3A_259, %get3A_260] : memref<2048x512xf32, #tpu.memory_space<vmem>>, vector<1x512xf32>
      %add3A_262 = arith.addf %scan3A_240, %get3A_261 : vector<1x512xf32>
      %get3A_263 = arith.index_cast %reduce_min3A_258 : i32 to index
      %get3A_264 = arith.constant 0 : index
      %get3A_265 = vector.load %arg10[%get3A_263, %get3A_264] : memref<2048x512xf32, #tpu.memory_space<vmem>>, vector<1x512xf32>
      %add3A_266 = arith.addf %scan3A_241, %get3A_265 : vector<1x512xf32>
      %broadcast_in_dim3A_267 = arith.constant 0x7F800000 : f32
      %broadcast_in_dim3A_268 = vector.broadcast %broadcast_in_dim3A_267 : f32 to vector<1x1xf32>
      %swap3A_269 = arith.index_cast %reduce_min3A_258 : i32 to index
      %swap3A_270 = arith.constant 0 : index
      %swap3A_271 = vector.load %arg11[%swap3A_269, %swap3A_270] : memref<2048x1xf32, #tpu.memory_space<vmem>>, vector<1x1xf32>
      tpu.vector_store %arg11[%swap3A_269, %swap3A_270], %broadcast_in_dim3A_268 {strides = array<i32>} : memref<2048x1xf32, #tpu.memory_space<vmem>>, vector<1x1xf32>,
      scf.yield %add3A_262, %add3A_266 : vector<1x512xf32>, vector<1x512xf32>
    }
    %div3A_120 = arith.divf %scan3A_119#0, %scan3A_119#1 : vector<1x512xf32>
    %swap3A_121 = arith.constant 2 : index
    %swap3A_122 = arith.constant 0 : index
    %swap3A_123 = vector.load %arg8[%swap3A_121, %swap3A_122] : memref<8x512xf32, #tpu.memory_space<vmem>>, vector<1x512xf32>
    tpu.vector_store %arg8[%swap3A_121, %swap3A_122], %div3A_120 {strides = array<i32>} : memref<8x512xf32, #tpu.memory_space<vmem>>, vector<1x512xf32>,
    %eq3A_124 = arith.constant 3.000000e+00 : f32
    %eq3A_125 = vector.broadcast %eq3A_124 : f32 to vector<2048x1xf32>
    %eq3A_126 = arith.cmpf oeq, %slice3A_54, %eq3A_125 : vector<2048x1xf32>
    %and3A_127 = arith.andi %lt3A_57, %eq3A_126 : vector<2048x1xi1>
    %jit3A_128 = arith.constant 0x7F800000 : f32
    %broadcast_in_dim3A_129 = vector.broadcast %jit3A_128 : f32 to vector<2048x1xf32>
    %select_n3A_130 = arith.select %and3A_127, %div3A_53, %broadcast_in_dim3A_129 : vector<2048x1xi1>, vector<2048x1xf32>
    %swap3A_131 = arith.constant 0 : index
    %swap3A_132 = arith.constant 0 : index
    %swap3A_133 = vector.load %arg11[%swap3A_131, %swap3A_132] : memref<2048x1xf32, #tpu.memory_space<vmem>>, vector<2048x1xf32>
    tpu.vector_store %arg11[%swap3A_131, %swap3A_132], %select_n3A_130 {strides = array<i32>} : memref<2048x1xf32, #tpu.memory_space<vmem>>, vector<2048x1xf32>,
    %broadcast_in_dim3A_134 = arith.constant 0.000000e+00 : f32
    %broadcast_in_dim3A_135 = vector.broadcast %broadcast_in_dim3A_134 : f32 to vector<1x512xf32>
    %broadcast_in_dim3A_136 = arith.constant 0.000000e+00 : f32
    %broadcast_in_dim3A_137 = vector.broadcast %broadcast_in_dim3A_136 : f32 to vector<1x512xf32>
    %scan3A_138 = arith.constant 0 : i32
    %scan3A_139 = arith.constant 10 : i32
    %scan3A_140 = arith.addi %scan3A_138, %scan3A_139 : i32
    %scan3A_141 = arith.constant 1 : i32
    %scan3A_142:2 = scf.for %scan3A_239 = %scan3A_138 to %scan3A_140 step %scan3A_141 iter_args(%scan3A_240 = %broadcast_in_dim3A_135, %scan3A_241 = %broadcast_in_dim3A_137) -> (vector<1x512xf32>, vector<1x512xf32>)  : i32 {
      %get3A_242 = arith.constant 0 : index
      %get3A_243 = arith.constant 0 : index
      %get3A_244 = vector.load %arg11[%get3A_242, %get3A_243] : memref<2048x1xf32, #tpu.memory_space<vmem>>, vector<2048x1xf32>
      %reduce_min3A = vector.shape_cast %get3A_244 : vector<2048x1xf32> to vector<1x2048x1xf32>
      %reduce_min3A_245 = arith.constant dense<0x7F800000> : vector<1xf32>
      %reduce_min3A_246 = vector.multi_reduction <minimumf>, %reduce_min3A, %reduce_min3A_245 [1, 2] : vector<1x2048x1xf32> to vector<1xf32>
      %reduce_min3A_247 = vector.shape_cast %reduce_min3A_246 : vector<1xf32> to vector<1x1x1xf32>
      %reduce_min3A_248 = vector.extract %reduce_min3A_247[0, 0, 0] : f32 from vector<1x1x1xf32>
      %eq3A_249 = vector.broadcast %reduce_min3A_248 : f32 to vector<2048x1xf32>
      %eq3A_250 = arith.cmpf oeq, %get3A_244, %eq3A_249 : vector<2048x1xf32>
      %jit3A_251 = arith.constant 1073741824 : i32
      %broadcast_in_dim3A_252 = vector.broadcast %jit3A_251 : i32 to vector<2048x1xi32>
      %select_n3A_253 = arith.select %eq3A_250, %iota3A, %broadcast_in_dim3A_252 : vector<2048x1xi1>, vector<2048x1xi32>
      %reduce_min3A_254 = vector.shape_cast %select_n3A_253 : vector<2048x1xi32> to vector<1x2048x1xi32>
      %reduce_min3A_255 = arith.constant dense<2147483647> : vector<1xi32>
      %reduce_min3A_256 = vector.multi_reduction <minsi>, %reduce_min3A_254, %reduce_min3A_255 [1, 2] : vector<1x2048x1xi32> to vector<1xi32>
      %reduce_min3A_257 = vector.shape_cast %reduce_min3A_256 : vector<1xi32> to vector<1x1x1xi32>
      %reduce_min3A_258 = vector.extract %reduce_min3A_257[0, 0, 0] : i32 from vector<1x1x1xi32>
      %get3A_259 = arith.index_cast %reduce_min3A_258 : i32 to index
      %get3A_260 = arith.constant 0 : index
      %get3A_261 = vector.load %arg9[%get3A_259, %get3A_260] : memref<2048x512xf32, #tpu.memory_space<vmem>>, vector<1x512xf32>
      %add3A_262 = arith.addf %scan3A_240, %get3A_261 : vector<1x512xf32>
      %get3A_263 = arith.index_cast %reduce_min3A_258 : i32 to index
      %get3A_264 = arith.constant 0 : index
      %get3A_265 = vector.load %arg10[%get3A_263, %get3A_264] : memref<2048x512xf32, #tpu.memory_space<vmem>>, vector<1x512xf32>
      %add3A_266 = arith.addf %scan3A_241, %get3A_265 : vector<1x512xf32>
      %broadcast_in_dim3A_267 = arith.constant 0x7F800000 : f32
      %broadcast_in_dim3A_268 = vector.broadcast %broadcast_in_dim3A_267 : f32 to vector<1x1xf32>
      %swap3A_269 = arith.index_cast %reduce_min3A_258 : i32 to index
      %swap3A_270 = arith.constant 0 : index
      %swap3A_271 = vector.load %arg11[%swap3A_269, %swap3A_270] : memref<2048x1xf32, #tpu.memory_space<vmem>>, vector<1x1xf32>
      tpu.vector_store %arg11[%swap3A_269, %swap3A_270], %broadcast_in_dim3A_268 {strides = array<i32>} : memref<2048x1xf32, #tpu.memory_space<vmem>>, vector<1x1xf32>,
      scf.yield %add3A_262, %add3A_266 : vector<1x512xf32>, vector<1x512xf32>
    }
    %div3A_143 = arith.divf %scan3A_142#0, %scan3A_142#1 : vector<1x512xf32>
    %swap3A_144 = arith.constant 3 : index
    %swap3A_145 = arith.constant 0 : index
    %swap3A_146 = vector.load %arg8[%swap3A_144, %swap3A_145] : memref<8x512xf32, #tpu.memory_space<vmem>>, vector<1x512xf32>
    tpu.vector_store %arg8[%swap3A_144, %swap3A_145], %div3A_143 {strides = array<i32>} : memref<8x512xf32, #tpu.memory_space<vmem>>, vector<1x512xf32>,
    %eq3A_147 = arith.constant 4.000000e+00 : f32
    %eq3A_148 = vector.broadcast %eq3A_147 : f32 to vector<2048x1xf32>
    %eq3A_149 = arith.cmpf oeq, %slice3A_54, %eq3A_148 : vector<2048x1xf32>
    %and3A_150 = arith.andi %lt3A_57, %eq3A_149 : vector<2048x1xi1>
    %jit3A_151 = arith.constant 0x7F800000 : f32
    %broadcast_in_dim3A_152 = vector.broadcast %jit3A_151 : f32 to vector<2048x1xf32>
    %select_n3A_153 = arith.select %and3A_150, %div3A_53, %broadcast_in_dim3A_152 : vector<2048x1xi1>, vector<2048x1xf32>
    %swap3A_154 = arith.constant 0 : index
    %swap3A_155 = arith.constant 0 : index
    %swap3A_156 = vector.load %arg11[%swap3A_154, %swap3A_155] : memref<2048x1xf32, #tpu.memory_space<vmem>>, vector<2048x1xf32>
    tpu.vector_store %arg11[%swap3A_154, %swap3A_155], %select_n3A_153 {strides = array<i32>} : memref<2048x1xf32, #tpu.memory_space<vmem>>, vector<2048x1xf32>,
    %broadcast_in_dim3A_157 = arith.constant 0.000000e+00 : f32
    %broadcast_in_dim3A_158 = vector.broadcast %broadcast_in_dim3A_157 : f32 to vector<1x512xf32>
    %broadcast_in_dim3A_159 = arith.constant 0.000000e+00 : f32
    %broadcast_in_dim3A_160 = vector.broadcast %broadcast_in_dim3A_159 : f32 to vector<1x512xf32>
    %scan3A_161 = arith.constant 0 : i32
    %scan3A_162 = arith.constant 10 : i32
    %scan3A_163 = arith.addi %scan3A_161, %scan3A_162 : i32
    %scan3A_164 = arith.constant 1 : i32
    %scan3A_165:2 = scf.for %scan3A_239 = %scan3A_161 to %scan3A_163 step %scan3A_164 iter_args(%scan3A_240 = %broadcast_in_dim3A_158, %scan3A_241 = %broadcast_in_dim3A_160) -> (vector<1x512xf32>, vector<1x512xf32>)  : i32 {
      %get3A_242 = arith.constant 0 : index
      %get3A_243 = arith.constant 0 : index
      %get3A_244 = vector.load %arg11[%get3A_242, %get3A_243] : memref<2048x1xf32, #tpu.memory_space<vmem>>, vector<2048x1xf32>
      %reduce_min3A = vector.shape_cast %get3A_244 : vector<2048x1xf32> to vector<1x2048x1xf32>
      %reduce_min3A_245 = arith.constant dense<0x7F800000> : vector<1xf32>
      %reduce_min3A_246 = vector.multi_reduction <minimumf>, %reduce_min3A, %reduce_min3A_245 [1, 2] : vector<1x2048x1xf32> to vector<1xf32>
      %reduce_min3A_247 = vector.shape_cast %reduce_min3A_246 : vector<1xf32> to vector<1x1x1xf32>
      %reduce_min3A_248 = vector.extract %reduce_min3A_247[0, 0, 0] : f32 from vector<1x1x1xf32>
      %eq3A_249 = vector.broadcast %reduce_min3A_248 : f32 to vector<2048x1xf32>
      %eq3A_250 = arith.cmpf oeq, %get3A_244, %eq3A_249 : vector<2048x1xf32>
      %jit3A_251 = arith.constant 1073741824 : i32
      %broadcast_in_dim3A_252 = vector.broadcast %jit3A_251 : i32 to vector<2048x1xi32>
      %select_n3A_253 = arith.select %eq3A_250, %iota3A, %broadcast_in_dim3A_252 : vector<2048x1xi1>, vector<2048x1xi32>
      %reduce_min3A_254 = vector.shape_cast %select_n3A_253 : vector<2048x1xi32> to vector<1x2048x1xi32>
      %reduce_min3A_255 = arith.constant dense<2147483647> : vector<1xi32>
      %reduce_min3A_256 = vector.multi_reduction <minsi>, %reduce_min3A_254, %reduce_min3A_255 [1, 2] : vector<1x2048x1xi32> to vector<1xi32>
      %reduce_min3A_257 = vector.shape_cast %reduce_min3A_256 : vector<1xi32> to vector<1x1x1xi32>
      %reduce_min3A_258 = vector.extract %reduce_min3A_257[0, 0, 0] : i32 from vector<1x1x1xi32>
      %get3A_259 = arith.index_cast %reduce_min3A_258 : i32 to index
      %get3A_260 = arith.constant 0 : index
      %get3A_261 = vector.load %arg9[%get3A_259, %get3A_260] : memref<2048x512xf32, #tpu.memory_space<vmem>>, vector<1x512xf32>
      %add3A_262 = arith.addf %scan3A_240, %get3A_261 : vector<1x512xf32>
      %get3A_263 = arith.index_cast %reduce_min3A_258 : i32 to index
      %get3A_264 = arith.constant 0 : index
      %get3A_265 = vector.load %arg10[%get3A_263, %get3A_264] : memref<2048x512xf32, #tpu.memory_space<vmem>>, vector<1x512xf32>
      %add3A_266 = arith.addf %scan3A_241, %get3A_265 : vector<1x512xf32>
      %broadcast_in_dim3A_267 = arith.constant 0x7F800000 : f32
      %broadcast_in_dim3A_268 = vector.broadcast %broadcast_in_dim3A_267 : f32 to vector<1x1xf32>
      %swap3A_269 = arith.index_cast %reduce_min3A_258 : i32 to index
      %swap3A_270 = arith.constant 0 : index
      %swap3A_271 = vector.load %arg11[%swap3A_269, %swap3A_270] : memref<2048x1xf32, #tpu.memory_space<vmem>>, vector<1x1xf32>
      tpu.vector_store %arg11[%swap3A_269, %swap3A_270], %broadcast_in_dim3A_268 {strides = array<i32>} : memref<2048x1xf32, #tpu.memory_space<vmem>>, vector<1x1xf32>,
      scf.yield %add3A_262, %add3A_266 : vector<1x512xf32>, vector<1x512xf32>
    }
    %div3A_166 = arith.divf %scan3A_165#0, %scan3A_165#1 : vector<1x512xf32>
    %swap3A_167 = arith.constant 4 : index
    %swap3A_168 = arith.constant 0 : index
    %swap3A_169 = vector.load %arg8[%swap3A_167, %swap3A_168] : memref<8x512xf32, #tpu.memory_space<vmem>>, vector<1x512xf32>
    tpu.vector_store %arg8[%swap3A_167, %swap3A_168], %div3A_166 {strides = array<i32>} : memref<8x512xf32, #tpu.memory_space<vmem>>, vector<1x512xf32>,
    %eq3A_170 = arith.constant 5.000000e+00 : f32
    %eq3A_171 = vector.broadcast %eq3A_170 : f32 to vector<2048x1xf32>
    %eq3A_172 = arith.cmpf oeq, %slice3A_54, %eq3A_171 : vector<2048x1xf32>
    %and3A_173 = arith.andi %lt3A_57, %eq3A_172 : vector<2048x1xi1>
    %jit3A_174 = arith.constant 0x7F800000 : f32
    %broadcast_in_dim3A_175 = vector.broadcast %jit3A_174 : f32 to vector<2048x1xf32>
    %select_n3A_176 = arith.select %and3A_173, %div3A_53, %broadcast_in_dim3A_175 : vector<2048x1xi1>, vector<2048x1xf32>
    %swap3A_177 = arith.constant 0 : index
    %swap3A_178 = arith.constant 0 : index
    %swap3A_179 = vector.load %arg11[%swap3A_177, %swap3A_178] : memref<2048x1xf32, #tpu.memory_space<vmem>>, vector<2048x1xf32>
    tpu.vector_store %arg11[%swap3A_177, %swap3A_178], %select_n3A_176 {strides = array<i32>} : memref<2048x1xf32, #tpu.memory_space<vmem>>, vector<2048x1xf32>,
    %broadcast_in_dim3A_180 = arith.constant 0.000000e+00 : f32
    %broadcast_in_dim3A_181 = vector.broadcast %broadcast_in_dim3A_180 : f32 to vector<1x512xf32>
    %broadcast_in_dim3A_182 = arith.constant 0.000000e+00 : f32
    %broadcast_in_dim3A_183 = vector.broadcast %broadcast_in_dim3A_182 : f32 to vector<1x512xf32>
    %scan3A_184 = arith.constant 0 : i32
    %scan3A_185 = arith.constant 10 : i32
    %scan3A_186 = arith.addi %scan3A_184, %scan3A_185 : i32
    %scan3A_187 = arith.constant 1 : i32
    %scan3A_188:2 = scf.for %scan3A_239 = %scan3A_184 to %scan3A_186 step %scan3A_187 iter_args(%scan3A_240 = %broadcast_in_dim3A_181, %scan3A_241 = %broadcast_in_dim3A_183) -> (vector<1x512xf32>, vector<1x512xf32>)  : i32 {
      %get3A_242 = arith.constant 0 : index
      %get3A_243 = arith.constant 0 : index
      %get3A_244 = vector.load %arg11[%get3A_242, %get3A_243] : memref<2048x1xf32, #tpu.memory_space<vmem>>, vector<2048x1xf32>
      %reduce_min3A = vector.shape_cast %get3A_244 : vector<2048x1xf32> to vector<1x2048x1xf32>
      %reduce_min3A_245 = arith.constant dense<0x7F800000> : vector<1xf32>
      %reduce_min3A_246 = vector.multi_reduction <minimumf>, %reduce_min3A, %reduce_min3A_245 [1, 2] : vector<1x2048x1xf32> to vector<1xf32>
      %reduce_min3A_247 = vector.shape_cast %reduce_min3A_246 : vector<1xf32> to vector<1x1x1xf32>
      %reduce_min3A_248 = vector.extract %reduce_min3A_247[0, 0, 0] : f32 from vector<1x1x1xf32>
      %eq3A_249 = vector.broadcast %reduce_min3A_248 : f32 to vector<2048x1xf32>
      %eq3A_250 = arith.cmpf oeq, %get3A_244, %eq3A_249 : vector<2048x1xf32>
      %jit3A_251 = arith.constant 1073741824 : i32
      %broadcast_in_dim3A_252 = vector.broadcast %jit3A_251 : i32 to vector<2048x1xi32>
      %select_n3A_253 = arith.select %eq3A_250, %iota3A, %broadcast_in_dim3A_252 : vector<2048x1xi1>, vector<2048x1xi32>
      %reduce_min3A_254 = vector.shape_cast %select_n3A_253 : vector<2048x1xi32> to vector<1x2048x1xi32>
      %reduce_min3A_255 = arith.constant dense<2147483647> : vector<1xi32>
      %reduce_min3A_256 = vector.multi_reduction <minsi>, %reduce_min3A_254, %reduce_min3A_255 [1, 2] : vector<1x2048x1xi32> to vector<1xi32>
      %reduce_min3A_257 = vector.shape_cast %reduce_min3A_256 : vector<1xi32> to vector<1x1x1xi32>
      %reduce_min3A_258 = vector.extract %reduce_min3A_257[0, 0, 0] : i32 from vector<1x1x1xi32>
      %get3A_259 = arith.index_cast %reduce_min3A_258 : i32 to index
      %get3A_260 = arith.constant 0 : index
      %get3A_261 = vector.load %arg9[%get3A_259, %get3A_260] : memref<2048x512xf32, #tpu.memory_space<vmem>>, vector<1x512xf32>
      %add3A_262 = arith.addf %scan3A_240, %get3A_261 : vector<1x512xf32>
      %get3A_263 = arith.index_cast %reduce_min3A_258 : i32 to index
      %get3A_264 = arith.constant 0 : index
      %get3A_265 = vector.load %arg10[%get3A_263, %get3A_264] : memref<2048x512xf32, #tpu.memory_space<vmem>>, vector<1x512xf32>
      %add3A_266 = arith.addf %scan3A_241, %get3A_265 : vector<1x512xf32>
      %broadcast_in_dim3A_267 = arith.constant 0x7F800000 : f32
      %broadcast_in_dim3A_268 = vector.broadcast %broadcast_in_dim3A_267 : f32 to vector<1x1xf32>
      %swap3A_269 = arith.index_cast %reduce_min3A_258 : i32 to index
      %swap3A_270 = arith.constant 0 : index
      %swap3A_271 = vector.load %arg11[%swap3A_269, %swap3A_270] : memref<2048x1xf32, #tpu.memory_space<vmem>>, vector<1x1xf32>
      tpu.vector_store %arg11[%swap3A_269, %swap3A_270], %broadcast_in_dim3A_268 {strides = array<i32>} : memref<2048x1xf32, #tpu.memory_space<vmem>>, vector<1x1xf32>,
      scf.yield %add3A_262, %add3A_266 : vector<1x512xf32>, vector<1x512xf32>
    }
    %div3A_189 = arith.divf %scan3A_188#0, %scan3A_188#1 : vector<1x512xf32>
    %swap3A_190 = arith.constant 5 : index
    %swap3A_191 = arith.constant 0 : index
    %swap3A_192 = vector.load %arg8[%swap3A_190, %swap3A_191] : memref<8x512xf32, #tpu.memory_space<vmem>>, vector<1x512xf32>
    tpu.vector_store %arg8[%swap3A_190, %swap3A_191], %div3A_189 {strides = array<i32>} : memref<8x512xf32, #tpu.memory_space<vmem>>, vector<1x512xf32>,
    %eq3A_193 = arith.constant 6.000000e+00 : f32
    %eq3A_194 = vector.broadcast %eq3A_193 : f32 to vector<2048x1xf32>
    %eq3A_195 = arith.cmpf oeq, %slice3A_54, %eq3A_194 : vector<2048x1xf32>
    %and3A_196 = arith.andi %lt3A_57, %eq3A_195 : vector<2048x1xi1>
    %jit3A_197 = arith.constant 0x7F800000 : f32
    %broadcast_in_dim3A_198 = vector.broadcast %jit3A_197 : f32 to vector<2048x1xf32>
    %select_n3A_199 = arith.select %and3A_196, %div3A_53, %broadcast_in_dim3A_198 : vector<2048x1xi1>, vector<2048x1xf32>
    %swap3A_200 = arith.constant 0 : index
    %swap3A_201 = arith.constant 0 : index
    %swap3A_202 = vector.load %arg11[%swap3A_200, %swap3A_201] : memref<2048x1xf32, #tpu.memory_space<vmem>>, vector<2048x1xf32>
    tpu.vector_store %arg11[%swap3A_200, %swap3A_201], %select_n3A_199 {strides = array<i32>} : memref<2048x1xf32, #tpu.memory_space<vmem>>, vector<2048x1xf32>,
    %broadcast_in_dim3A_203 = arith.constant 0.000000e+00 : f32
    %broadcast_in_dim3A_204 = vector.broadcast %broadcast_in_dim3A_203 : f32 to vector<1x512xf32>
    %broadcast_in_dim3A_205 = arith.constant 0.000000e+00 : f32
    %broadcast_in_dim3A_206 = vector.broadcast %broadcast_in_dim3A_205 : f32 to vector<1x512xf32>
    %scan3A_207 = arith.constant 0 : i32
    %scan3A_208 = arith.constant 10 : i32
    %scan3A_209 = arith.addi %scan3A_207, %scan3A_208 : i32
    %scan3A_210 = arith.constant 1 : i32
    %scan3A_211:2 = scf.for %scan3A_239 = %scan3A_207 to %scan3A_209 step %scan3A_210 iter_args(%scan3A_240 = %broadcast_in_dim3A_204, %scan3A_241 = %broadcast_in_dim3A_206) -> (vector<1x512xf32>, vector<1x512xf32>)  : i32 {
      %get3A_242 = arith.constant 0 : index
      %get3A_243 = arith.constant 0 : index
      %get3A_244 = vector.load %arg11[%get3A_242, %get3A_243] : memref<2048x1xf32, #tpu.memory_space<vmem>>, vector<2048x1xf32>
      %reduce_min3A = vector.shape_cast %get3A_244 : vector<2048x1xf32> to vector<1x2048x1xf32>
      %reduce_min3A_245 = arith.constant dense<0x7F800000> : vector<1xf32>
      %reduce_min3A_246 = vector.multi_reduction <minimumf>, %reduce_min3A, %reduce_min3A_245 [1, 2] : vector<1x2048x1xf32> to vector<1xf32>
      %reduce_min3A_247 = vector.shape_cast %reduce_min3A_246 : vector<1xf32> to vector<1x1x1xf32>
      %reduce_min3A_248 = vector.extract %reduce_min3A_247[0, 0, 0] : f32 from vector<1x1x1xf32>
      %eq3A_249 = vector.broadcast %reduce_min3A_248 : f32 to vector<2048x1xf32>
      %eq3A_250 = arith.cmpf oeq, %get3A_244, %eq3A_249 : vector<2048x1xf32>
      %jit3A_251 = arith.constant 1073741824 : i32
      %broadcast_in_dim3A_252 = vector.broadcast %jit3A_251 : i32 to vector<2048x1xi32>
      %select_n3A_253 = arith.select %eq3A_250, %iota3A, %broadcast_in_dim3A_252 : vector<2048x1xi1>, vector<2048x1xi32>
      %reduce_min3A_254 = vector.shape_cast %select_n3A_253 : vector<2048x1xi32> to vector<1x2048x1xi32>
      %reduce_min3A_255 = arith.constant dense<2147483647> : vector<1xi32>
      %reduce_min3A_256 = vector.multi_reduction <minsi>, %reduce_min3A_254, %reduce_min3A_255 [1, 2] : vector<1x2048x1xi32> to vector<1xi32>
      %reduce_min3A_257 = vector.shape_cast %reduce_min3A_256 : vector<1xi32> to vector<1x1x1xi32>
      %reduce_min3A_258 = vector.extract %reduce_min3A_257[0, 0, 0] : i32 from vector<1x1x1xi32>
      %get3A_259 = arith.index_cast %reduce_min3A_258 : i32 to index
      %get3A_260 = arith.constant 0 : index
      %get3A_261 = vector.load %arg9[%get3A_259, %get3A_260] : memref<2048x512xf32, #tpu.memory_space<vmem>>, vector<1x512xf32>
      %add3A_262 = arith.addf %scan3A_240, %get3A_261 : vector<1x512xf32>
      %get3A_263 = arith.index_cast %reduce_min3A_258 : i32 to index
      %get3A_264 = arith.constant 0 : index
      %get3A_265 = vector.load %arg10[%get3A_263, %get3A_264] : memref<2048x512xf32, #tpu.memory_space<vmem>>, vector<1x512xf32>
      %add3A_266 = arith.addf %scan3A_241, %get3A_265 : vector<1x512xf32>
      %broadcast_in_dim3A_267 = arith.constant 0x7F800000 : f32
      %broadcast_in_dim3A_268 = vector.broadcast %broadcast_in_dim3A_267 : f32 to vector<1x1xf32>
      %swap3A_269 = arith.index_cast %reduce_min3A_258 : i32 to index
      %swap3A_270 = arith.constant 0 : index
      %swap3A_271 = vector.load %arg11[%swap3A_269, %swap3A_270] : memref<2048x1xf32, #tpu.memory_space<vmem>>, vector<1x1xf32>
      tpu.vector_store %arg11[%swap3A_269, %swap3A_270], %broadcast_in_dim3A_268 {strides = array<i32>} : memref<2048x1xf32, #tpu.memory_space<vmem>>, vector<1x1xf32>,
      scf.yield %add3A_262, %add3A_266 : vector<1x512xf32>, vector<1x512xf32>
    }
    %div3A_212 = arith.divf %scan3A_211#0, %scan3A_211#1 : vector<1x512xf32>
    %swap3A_213 = arith.constant 6 : index
    %swap3A_214 = arith.constant 0 : index
    %swap3A_215 = vector.load %arg8[%swap3A_213, %swap3A_214] : memref<8x512xf32, #tpu.memory_space<vmem>>, vector<1x512xf32>
    tpu.vector_store %arg8[%swap3A_213, %swap3A_214], %div3A_212 {strides = array<i32>} : memref<8x512xf32, #tpu.memory_space<vmem>>, vector<1x512xf32>,
    %eq3A_216 = arith.constant 7.000000e+00 : f32
    %eq3A_217 = vector.broadcast %eq3A_216 : f32 to vector<2048x1xf32>
    %eq3A_218 = arith.cmpf oeq, %slice3A_54, %eq3A_217 : vector<2048x1xf32>
    %and3A_219 = arith.andi %lt3A_57, %eq3A_218 : vector<2048x1xi1>
    %jit3A_220 = arith.constant 0x7F800000 : f32
    %broadcast_in_dim3A_221 = vector.broadcast %jit3A_220 : f32 to vector<2048x1xf32>
    %select_n3A_222 = arith.select %and3A_219, %div3A_53, %broadcast_in_dim3A_221 : vector<2048x1xi1>, vector<2048x1xf32>
    %swap3A_223 = arith.constant 0 : index
    %swap3A_224 = arith.constant 0 : index
    %swap3A_225 = vector.load %arg11[%swap3A_223, %swap3A_224] : memref<2048x1xf32, #tpu.memory_space<vmem>>, vector<2048x1xf32>
    tpu.vector_store %arg11[%swap3A_223, %swap3A_224], %select_n3A_222 {strides = array<i32>} : memref<2048x1xf32, #tpu.memory_space<vmem>>, vector<2048x1xf32>,
    %broadcast_in_dim3A_226 = arith.constant 0.000000e+00 : f32
    %broadcast_in_dim3A_227 = vector.broadcast %broadcast_in_dim3A_226 : f32 to vector<1x512xf32>
    %broadcast_in_dim3A_228 = arith.constant 0.000000e+00 : f32
    %broadcast_in_dim3A_229 = vector.broadcast %broadcast_in_dim3A_228 : f32 to vector<1x512xf32>
    %scan3A_230 = arith.constant 0 : i32
    %scan3A_231 = arith.constant 10 : i32
    %scan3A_232 = arith.addi %scan3A_230, %scan3A_231 : i32
    %scan3A_233 = arith.constant 1 : i32
    %scan3A_234:2 = scf.for %scan3A_239 = %scan3A_230 to %scan3A_232 step %scan3A_233 iter_args(%scan3A_240 = %broadcast_in_dim3A_227, %scan3A_241 = %broadcast_in_dim3A_229) -> (vector<1x512xf32>, vector<1x512xf32>)  : i32 {
      %get3A_242 = arith.constant 0 : index
      %get3A_243 = arith.constant 0 : index
      %get3A_244 = vector.load %arg11[%get3A_242, %get3A_243] : memref<2048x1xf32, #tpu.memory_space<vmem>>, vector<2048x1xf32>
      %reduce_min3A = vector.shape_cast %get3A_244 : vector<2048x1xf32> to vector<1x2048x1xf32>
      %reduce_min3A_245 = arith.constant dense<0x7F800000> : vector<1xf32>
      %reduce_min3A_246 = vector.multi_reduction <minimumf>, %reduce_min3A, %reduce_min3A_245 [1, 2] : vector<1x2048x1xf32> to vector<1xf32>
      %reduce_min3A_247 = vector.shape_cast %reduce_min3A_246 : vector<1xf32> to vector<1x1x1xf32>
      %reduce_min3A_248 = vector.extract %reduce_min3A_247[0, 0, 0] : f32 from vector<1x1x1xf32>
      %eq3A_249 = vector.broadcast %reduce_min3A_248 : f32 to vector<2048x1xf32>
      %eq3A_250 = arith.cmpf oeq, %get3A_244, %eq3A_249 : vector<2048x1xf32>
      %jit3A_251 = arith.constant 1073741824 : i32
      %broadcast_in_dim3A_252 = vector.broadcast %jit3A_251 : i32 to vector<2048x1xi32>
      %select_n3A_253 = arith.select %eq3A_250, %iota3A, %broadcast_in_dim3A_252 : vector<2048x1xi1>, vector<2048x1xi32>
      %reduce_min3A_254 = vector.shape_cast %select_n3A_253 : vector<2048x1xi32> to vector<1x2048x1xi32>
      %reduce_min3A_255 = arith.constant dense<2147483647> : vector<1xi32>
      %reduce_min3A_256 = vector.multi_reduction <minsi>, %reduce_min3A_254, %reduce_min3A_255 [1, 2] : vector<1x2048x1xi32> to vector<1xi32>
      %reduce_min3A_257 = vector.shape_cast %reduce_min3A_256 : vector<1xi32> to vector<1x1x1xi32>
      %reduce_min3A_258 = vector.extract %reduce_min3A_257[0, 0, 0] : i32 from vector<1x1x1xi32>
      %get3A_259 = arith.index_cast %reduce_min3A_258 : i32 to index
      %get3A_260 = arith.constant 0 : index
      %get3A_261 = vector.load %arg9[%get3A_259, %get3A_260] : memref<2048x512xf32, #tpu.memory_space<vmem>>, vector<1x512xf32>
      %add3A_262 = arith.addf %scan3A_240, %get3A_261 : vector<1x512xf32>
      %get3A_263 = arith.index_cast %reduce_min3A_258 : i32 to index
      %get3A_264 = arith.constant 0 : index
      %get3A_265 = vector.load %arg10[%get3A_263, %get3A_264] : memref<2048x512xf32, #tpu.memory_space<vmem>>, vector<1x512xf32>
      %add3A_266 = arith.addf %scan3A_241, %get3A_265 : vector<1x512xf32>
      %broadcast_in_dim3A_267 = arith.constant 0x7F800000 : f32
      %broadcast_in_dim3A_268 = vector.broadcast %broadcast_in_dim3A_267 : f32 to vector<1x1xf32>
      %swap3A_269 = arith.index_cast %reduce_min3A_258 : i32 to index
      %swap3A_270 = arith.constant 0 : index
      %swap3A_271 = vector.load %arg11[%swap3A_269, %swap3A_270] : memref<2048x1xf32, #tpu.memory_space<vmem>>, vector<1x1xf32>
      tpu.vector_store %arg11[%swap3A_269, %swap3A_270], %broadcast_in_dim3A_268 {strides = array<i32>} : memref<2048x1xf32, #tpu.memory_space<vmem>>, vector<1x1xf32>,
      scf.yield %add3A_262, %add3A_266 : vector<1x512xf32>, vector<1x512xf32>
    }
    %div3A_235 = arith.divf %scan3A_234#0, %scan3A_234#1 : vector<1x512xf32>
    %swap3A_236 = arith.constant 7 : index
    %swap3A_237 = arith.constant 0 : index
    %swap3A_238 = vector.load %arg8[%swap3A_236, %swap3A_237] : memref<8x512xf32, #tpu.memory_space<vmem>>, vector<1x512xf32>
    tpu.vector_store %arg8[%swap3A_236, %swap3A_237], %div3A_235 {strides = array<i32>} : memref<8x512xf32, #tpu.memory_space<vmem>>, vector<1x512xf32>,
    return
  }
  func.func @transform_0(%arg0: i32) -> (i32, i32) {
    %c0_i32 = arith.constant 0 : i32
    %c0_i32_0 = arith.constant 0 : i32
    %c0_i32_1 = arith.constant 0 : i32
    return %c0_i32, %c0_i32_0 : i32, i32
  }
  func.func @transform_1(%arg0: i32) -> (i32, i32) {
    %c0_i32 = arith.constant 0 : i32
    %c0_i32_0 = arith.constant 0 : i32
    %c0_i32_1 = arith.constant 0 : i32
    return %c0_i32, %c0_i32_0 : i32, i32
  }
  func.func @transform_2(%arg0: i32) -> (i32, i32) {
    %c0_i32 = arith.constant 0 : i32
    %c0_i32_0 = arith.constant 0 : i32
    %c0_i32_1 = arith.constant 0 : i32
    return %c0_i32, %c0_i32_0 : i32, i32
  }
  func.func @transform_3(%arg0: i32) -> (i32, i32) {
    %c0_i32 = arith.constant 0 : i32
    %c0_i32_0 = arith.constant 0 : i32
    %c0_i32_1 = arith.constant 0 : i32
    return %c0_i32, %c0_i32_0 : i32, i32
  }
  func.func @transform_4(%arg0: i32) -> (i32, i32) {
    %c0_i32 = arith.constant 0 : i32
    %c0_i32_0 = arith.constant 0 : i32
    %c0_i32_1 = arith.constant 0 : i32
    return %c0_i32, %c0_i32_0 : i32, i32
  }
  func.func @transform_5(%arg0: i32) -> (i32, i32) {
    %c0_i32 = arith.constant 0 : i32
    %c0_i32_0 = arith.constant 0 : i32
    %c0_i32_1 = arith.constant 0 : i32
    return %c0_i32, %c0_i32_0 : i32, i32
  }
  func.func @transform_6(%arg0: i32) -> (i32, i32) {
    %c0_i32 = arith.constant 0 : i32
    %c0_i32_0 = arith.constant 0 : i32
    %c0_i32_1 = arith.constant 0 : i32
    return %c0_i32, %c0_i32_0 : i32, i32
  }
  func.func @transform_7(%arg0: i32) -> (i32, i32) {
    %c0_i32 = arith.constant 0 : i32
    %c0_i32_0 = arith.constant 0 : i32
    %c0_i32_1 = arith.constant 0 : i32
    return %c0_i32, %c0_i32_0 : i32, i32
  }
}

module attributes {stable_mosaic.version = 14 : i64} {
  func.func @body(%arg0: i32, %arg1: memref<8x512xf32, #tpu.memory_space<vmem>>, %arg2: memref<256x16xf32, #tpu.memory_space<vmem>>, %arg3: memref<512x512xf32, #tpu.memory_space<vmem>>, %arg4: memref<16x512xf32, #tpu.memory_space<vmem>>, %arg5: memref<1x512xf32, #tpu.memory_space<vmem>>, %arg6: memref<512x512xf32, #tpu.memory_space<vmem>>, %arg7: memref<1x512xf32, #tpu.memory_space<vmem>>, %arg8: memref<512x16xf32, #tpu.memory_space<vmem>>, %arg9: memref<1x16xf32, #tpu.memory_space<vmem>>, %arg10: memref<512x512xf32, #tpu.memory_space<vmem>>, %arg11: memref<16x512xf32, #tpu.memory_space<vmem>>, %arg12: memref<1x512xf32, #tpu.memory_space<vmem>>, %arg13: memref<512x512xf32, #tpu.memory_space<vmem>>, %arg14: memref<1x512xf32, #tpu.memory_space<vmem>>, %arg15: memref<512x16xf32, #tpu.memory_space<vmem>>, %arg16: memref<1x16xf32, #tpu.memory_space<vmem>>, %arg17: memref<256x16xf32, #tpu.memory_space<vmem>>) attributes {dimension_semantics = [#tpu.dimension_semantics<arbitrary>], iteration_bounds = array<i64: 64>, scalar_prefetch = 0 : i64, scratch_operands = 0 : i64, tpu.core_type = #tpu.core_type<tc>, window_params = [{pipeline_mode = #tpu.pipeline_mode<synchronous>, transform_indices = @transform_0, window_bounds = array<i64: 8, 512>}, {transform_indices = @transform_1, window_bounds = array<i64: 256, 16>}, {pipeline_mode = #tpu.pipeline_mode<synchronous>, transform_indices = @transform_2, window_bounds = array<i64: 512, 512>}, {pipeline_mode = #tpu.pipeline_mode<synchronous>, transform_indices = @transform_3, window_bounds = array<i64: 16, 512>}, {pipeline_mode = #tpu.pipeline_mode<synchronous>, transform_indices = @transform_4, window_bounds = array<i64: 1, 512>}, {pipeline_mode = #tpu.pipeline_mode<synchronous>, transform_indices = @transform_5, window_bounds = array<i64: 512, 512>}, {pipeline_mode = #tpu.pipeline_mode<synchronous>, transform_indices = @transform_6, window_bounds = array<i64: 1, 512>}, {pipeline_mode = #tpu.pipeline_mode<synchronous>, transform_indices = @transform_7, window_bounds = array<i64: 512, 16>}, {pipeline_mode = #tpu.pipeline_mode<synchronous>, transform_indices = @transform_8, window_bounds = array<i64: 1, 16>}, {pipeline_mode = #tpu.pipeline_mode<synchronous>, transform_indices = @transform_9, window_bounds = array<i64: 512, 512>}, {pipeline_mode = #tpu.pipeline_mode<synchronous>, transform_indices = @transform_10, window_bounds = array<i64: 16, 512>}, {pipeline_mode = #tpu.pipeline_mode<synchronous>, transform_indices = @transform_11, window_bounds = array<i64: 1, 512>}, {pipeline_mode = #tpu.pipeline_mode<synchronous>, transform_indices = @transform_12, window_bounds = array<i64: 512, 512>}, {pipeline_mode = #tpu.pipeline_mode<synchronous>, transform_indices = @transform_13, window_bounds = array<i64: 1, 512>}, {pipeline_mode = #tpu.pipeline_mode<synchronous>, transform_indices = @transform_14, window_bounds = array<i64: 512, 16>}, {pipeline_mode = #tpu.pipeline_mode<synchronous>, transform_indices = @transform_15, window_bounds = array<i64: 1, 16>}, {transform_indices = @transform_16, window_bounds = array<i64: 256, 16>}]} {
    %get3A = arith.constant 0 : index
    %get3A_0 = arith.constant 0 : index
    %get3A_1 = vector.load %arg1[%get3A, %get3A_0] : memref<8x512xf32, #tpu.memory_space<vmem>>, vector<8x512xf32>
    %get3A_2 = arith.constant 0 : index
    %get3A_3 = arith.constant 0 : index
    %get3A_4 = vector.load %arg2[%get3A_2, %get3A_3] : memref<256x16xf32, #tpu.memory_space<vmem>>, vector<256x16xf32>
    %slice3A = vector.extract_strided_slice %get3A_4 {offsets = [0, 3], sizes = [256, 1], strides = [1, 1]} : vector<256x16xf32> to vector<256x1xf32>
    %broadcast_in_dim3A = arith.constant 0.000000e+00 : f32
    %broadcast_in_dim3A_5 = vector.broadcast %broadcast_in_dim3A : f32 to vector<256x512xf32>
    %eq3A = arith.constant 0.000000e+00 : f32
    %eq3A_6 = vector.broadcast %eq3A : f32 to vector<256x1xf32>
    %eq3A_7 = arith.cmpf oeq, %slice3A, %eq3A_6 : vector<256x1xf32>
    %slice3A_8 = vector.extract_strided_slice %get3A_1 {offsets = [0, 0], sizes = [1, 512], strides = [1, 1]} : vector<8x512xf32> to vector<1x512xf32>
    %broadcast_in_dim3A_9 = vector.shape_cast %eq3A_7 : vector<256x1xi1> to vector<256x1xi1>
    %broadcast_in_dim3A_10 = vector.broadcast %broadcast_in_dim3A_9 : vector<256x1xi1> to vector<256x512xi1>
    %broadcast_in_dim3A_11 = vector.shape_cast %slice3A_8 : vector<1x512xf32> to vector<1x512xf32>
    %broadcast_in_dim3A_12 = vector.broadcast %broadcast_in_dim3A_11 : vector<1x512xf32> to vector<256x512xf32>
    %select_n3A = arith.select %broadcast_in_dim3A_10, %broadcast_in_dim3A_12, %broadcast_in_dim3A_5 : vector<256x512xi1>, vector<256x512xf32>
    %eq3A_13 = arith.constant 1.000000e+00 : f32
    %eq3A_14 = vector.broadcast %eq3A_13 : f32 to vector<256x1xf32>
    %eq3A_15 = arith.cmpf oeq, %slice3A, %eq3A_14 : vector<256x1xf32>
    %slice3A_16 = vector.extract_strided_slice %get3A_1 {offsets = [1, 0], sizes = [1, 512], strides = [1, 1]} : vector<8x512xf32> to vector<1x512xf32>
    %broadcast_in_dim3A_17 = vector.shape_cast %eq3A_15 : vector<256x1xi1> to vector<256x1xi1>
    %broadcast_in_dim3A_18 = vector.broadcast %broadcast_in_dim3A_17 : vector<256x1xi1> to vector<256x512xi1>
    %broadcast_in_dim3A_19 = vector.shape_cast %slice3A_16 : vector<1x512xf32> to vector<1x512xf32>
    %broadcast_in_dim3A_20 = vector.broadcast %broadcast_in_dim3A_19 : vector<1x512xf32> to vector<256x512xf32>
    %select_n3A_21 = arith.select %broadcast_in_dim3A_18, %broadcast_in_dim3A_20, %select_n3A : vector<256x512xi1>, vector<256x512xf32>
    %eq3A_22 = arith.constant 2.000000e+00 : f32
    %eq3A_23 = vector.broadcast %eq3A_22 : f32 to vector<256x1xf32>
    %eq3A_24 = arith.cmpf oeq, %slice3A, %eq3A_23 : vector<256x1xf32>
    %slice3A_25 = vector.extract_strided_slice %get3A_1 {offsets = [2, 0], sizes = [1, 512], strides = [1, 1]} : vector<8x512xf32> to vector<1x512xf32>
    %broadcast_in_dim3A_26 = vector.shape_cast %eq3A_24 : vector<256x1xi1> to vector<256x1xi1>
    %broadcast_in_dim3A_27 = vector.broadcast %broadcast_in_dim3A_26 : vector<256x1xi1> to vector<256x512xi1>
    %broadcast_in_dim3A_28 = vector.shape_cast %slice3A_25 : vector<1x512xf32> to vector<1x512xf32>
    %broadcast_in_dim3A_29 = vector.broadcast %broadcast_in_dim3A_28 : vector<1x512xf32> to vector<256x512xf32>
    %select_n3A_30 = arith.select %broadcast_in_dim3A_27, %broadcast_in_dim3A_29, %select_n3A_21 : vector<256x512xi1>, vector<256x512xf32>
    %eq3A_31 = arith.constant 3.000000e+00 : f32
    %eq3A_32 = vector.broadcast %eq3A_31 : f32 to vector<256x1xf32>
    %eq3A_33 = arith.cmpf oeq, %slice3A, %eq3A_32 : vector<256x1xf32>
    %slice3A_34 = vector.extract_strided_slice %get3A_1 {offsets = [3, 0], sizes = [1, 512], strides = [1, 1]} : vector<8x512xf32> to vector<1x512xf32>
    %broadcast_in_dim3A_35 = vector.shape_cast %eq3A_33 : vector<256x1xi1> to vector<256x1xi1>
    %broadcast_in_dim3A_36 = vector.broadcast %broadcast_in_dim3A_35 : vector<256x1xi1> to vector<256x512xi1>
    %broadcast_in_dim3A_37 = vector.shape_cast %slice3A_34 : vector<1x512xf32> to vector<1x512xf32>
    %broadcast_in_dim3A_38 = vector.broadcast %broadcast_in_dim3A_37 : vector<1x512xf32> to vector<256x512xf32>
    %select_n3A_39 = arith.select %broadcast_in_dim3A_36, %broadcast_in_dim3A_38, %select_n3A_30 : vector<256x512xi1>, vector<256x512xf32>
    %eq3A_40 = arith.constant 4.000000e+00 : f32
    %eq3A_41 = vector.broadcast %eq3A_40 : f32 to vector<256x1xf32>
    %eq3A_42 = arith.cmpf oeq, %slice3A, %eq3A_41 : vector<256x1xf32>
    %slice3A_43 = vector.extract_strided_slice %get3A_1 {offsets = [4, 0], sizes = [1, 512], strides = [1, 1]} : vector<8x512xf32> to vector<1x512xf32>
    %broadcast_in_dim3A_44 = vector.shape_cast %eq3A_42 : vector<256x1xi1> to vector<256x1xi1>
    %broadcast_in_dim3A_45 = vector.broadcast %broadcast_in_dim3A_44 : vector<256x1xi1> to vector<256x512xi1>
    %broadcast_in_dim3A_46 = vector.shape_cast %slice3A_43 : vector<1x512xf32> to vector<1x512xf32>
    %broadcast_in_dim3A_47 = vector.broadcast %broadcast_in_dim3A_46 : vector<1x512xf32> to vector<256x512xf32>
    %select_n3A_48 = arith.select %broadcast_in_dim3A_45, %broadcast_in_dim3A_47, %select_n3A_39 : vector<256x512xi1>, vector<256x512xf32>
    %eq3A_49 = arith.constant 5.000000e+00 : f32
    %eq3A_50 = vector.broadcast %eq3A_49 : f32 to vector<256x1xf32>
    %eq3A_51 = arith.cmpf oeq, %slice3A, %eq3A_50 : vector<256x1xf32>
    %slice3A_52 = vector.extract_strided_slice %get3A_1 {offsets = [5, 0], sizes = [1, 512], strides = [1, 1]} : vector<8x512xf32> to vector<1x512xf32>
    %broadcast_in_dim3A_53 = vector.shape_cast %eq3A_51 : vector<256x1xi1> to vector<256x1xi1>
    %broadcast_in_dim3A_54 = vector.broadcast %broadcast_in_dim3A_53 : vector<256x1xi1> to vector<256x512xi1>
    %broadcast_in_dim3A_55 = vector.shape_cast %slice3A_52 : vector<1x512xf32> to vector<1x512xf32>
    %broadcast_in_dim3A_56 = vector.broadcast %broadcast_in_dim3A_55 : vector<1x512xf32> to vector<256x512xf32>
    %select_n3A_57 = arith.select %broadcast_in_dim3A_54, %broadcast_in_dim3A_56, %select_n3A_48 : vector<256x512xi1>, vector<256x512xf32>
    %eq3A_58 = arith.constant 6.000000e+00 : f32
    %eq3A_59 = vector.broadcast %eq3A_58 : f32 to vector<256x1xf32>
    %eq3A_60 = arith.cmpf oeq, %slice3A, %eq3A_59 : vector<256x1xf32>
    %slice3A_61 = vector.extract_strided_slice %get3A_1 {offsets = [6, 0], sizes = [1, 512], strides = [1, 1]} : vector<8x512xf32> to vector<1x512xf32>
    %broadcast_in_dim3A_62 = vector.shape_cast %eq3A_60 : vector<256x1xi1> to vector<256x1xi1>
    %broadcast_in_dim3A_63 = vector.broadcast %broadcast_in_dim3A_62 : vector<256x1xi1> to vector<256x512xi1>
    %broadcast_in_dim3A_64 = vector.shape_cast %slice3A_61 : vector<1x512xf32> to vector<1x512xf32>
    %broadcast_in_dim3A_65 = vector.broadcast %broadcast_in_dim3A_64 : vector<1x512xf32> to vector<256x512xf32>
    %select_n3A_66 = arith.select %broadcast_in_dim3A_63, %broadcast_in_dim3A_65, %select_n3A_57 : vector<256x512xi1>, vector<256x512xf32>
    %eq3A_67 = arith.constant 7.000000e+00 : f32
    %eq3A_68 = vector.broadcast %eq3A_67 : f32 to vector<256x1xf32>
    %eq3A_69 = arith.cmpf oeq, %slice3A, %eq3A_68 : vector<256x1xf32>
    %slice3A_70 = vector.extract_strided_slice %get3A_1 {offsets = [7, 0], sizes = [1, 512], strides = [1, 1]} : vector<8x512xf32> to vector<1x512xf32>
    %broadcast_in_dim3A_71 = vector.shape_cast %eq3A_69 : vector<256x1xi1> to vector<256x1xi1>
    %broadcast_in_dim3A_72 = vector.broadcast %broadcast_in_dim3A_71 : vector<256x1xi1> to vector<256x512xi1>
    %broadcast_in_dim3A_73 = vector.shape_cast %slice3A_70 : vector<1x512xf32> to vector<1x512xf32>
    %broadcast_in_dim3A_74 = vector.broadcast %broadcast_in_dim3A_73 : vector<1x512xf32> to vector<256x512xf32>
    %select_n3A_75 = arith.select %broadcast_in_dim3A_72, %broadcast_in_dim3A_74, %select_n3A_66 : vector<256x512xi1>, vector<256x512xf32>
    %get3A_76 = arith.constant 0 : index
    %get3A_77 = arith.constant 0 : index
    %get3A_78 = vector.load %arg3[%get3A_76, %get3A_77] : memref<512x512xf32, #tpu.memory_space<vmem>>, vector<512x512xf32>
    %dot_general3A = arith.constant dense<0.000000e+00> : vector<256x512xf32>
    %dot_general3A_79 = tpu.matmul %select_n3A_75, %get3A_78, %dot_general3A {dimension_numbers = #tpu.dot_dimension_numbers<[1], [0], [0], [1], [0, 0, 1, 1], [], []>, transpose_lhs_hint = false} : vector<256x512xf32>, vector<512x512xf32>, vector<256x512xf32> -> vector<256x512xf32>
    %get3A_80 = arith.constant 0 : index
    %get3A_81 = arith.constant 0 : index
    %get3A_82 = vector.load %arg4[%get3A_80, %get3A_81] : memref<16x512xf32, #tpu.memory_space<vmem>>, vector<16x512xf32>
    %dot_general3A_83 = arith.constant dense<0.000000e+00> : vector<256x512xf32>
    %dot_general3A_84 = tpu.matmul %get3A_4, %get3A_82, %dot_general3A_83 {dimension_numbers = #tpu.dot_dimension_numbers<[1], [0], [0], [1], [0, 0, 1, 1], [], []>, transpose_lhs_hint = false} : vector<256x16xf32>, vector<16x512xf32>, vector<256x512xf32> -> vector<256x512xf32>
    %add3A = arith.addf %dot_general3A_79, %dot_general3A_84 : vector<256x512xf32>
    %get3A_85 = arith.constant 0 : index
    %get3A_86 = arith.constant 0 : index
    %get3A_87 = vector.load %arg5[%get3A_85, %get3A_86] : memref<1x512xf32, #tpu.memory_space<vmem>>, vector<1x512xf32>
    %add3A_88 = vector.broadcast %get3A_87 : vector<1x512xf32> to vector<256x512xf32>
    %add3A_89 = arith.addf %add3A, %add3A_88 : vector<256x512xf32>
    %max3A = arith.constant 0.000000e+00 : f32
    %max3A_90 = vector.broadcast %max3A : f32 to vector<256x512xf32>
    %max3A_91 = arith.maximumf %add3A_89, %max3A_90 : vector<256x512xf32>
    %get3A_92 = arith.constant 0 : index
    %get3A_93 = arith.constant 0 : index
    %get3A_94 = vector.load %arg6[%get3A_92, %get3A_93] : memref<512x512xf32, #tpu.memory_space<vmem>>, vector<512x512xf32>
    %dot_general3A_95 = arith.constant dense<0.000000e+00> : vector<256x512xf32>
    %dot_general3A_96 = tpu.matmul %max3A_91, %get3A_94, %dot_general3A_95 {dimension_numbers = #tpu.dot_dimension_numbers<[1], [0], [0], [1], [0, 0, 1, 1], [], []>, transpose_lhs_hint = false} : vector<256x512xf32>, vector<512x512xf32>, vector<256x512xf32> -> vector<256x512xf32>
    %get3A_97 = arith.constant 0 : index
    %get3A_98 = arith.constant 0 : index
    %get3A_99 = vector.load %arg7[%get3A_97, %get3A_98] : memref<1x512xf32, #tpu.memory_space<vmem>>, vector<1x512xf32>
    %add3A_100 = vector.broadcast %get3A_99 : vector<1x512xf32> to vector<256x512xf32>
    %add3A_101 = arith.addf %dot_general3A_96, %add3A_100 : vector<256x512xf32>
    %max3A_102 = arith.constant 0.000000e+00 : f32
    %max3A_103 = vector.broadcast %max3A_102 : f32 to vector<256x512xf32>
    %max3A_104 = arith.maximumf %add3A_101, %max3A_103 : vector<256x512xf32>
    %get3A_105 = arith.constant 0 : index
    %get3A_106 = arith.constant 0 : index
    %get3A_107 = vector.load %arg8[%get3A_105, %get3A_106] : memref<512x16xf32, #tpu.memory_space<vmem>>, vector<512x16xf32>
    %dot_general3A_108 = arith.constant dense<0.000000e+00> : vector<256x16xf32>
    %dot_general3A_109 = tpu.matmul %max3A_104, %get3A_107, %dot_general3A_108 {dimension_numbers = #tpu.dot_dimension_numbers<[1], [0], [0], [1], [0, 0, 1, 1], [], []>, transpose_lhs_hint = false} : vector<256x512xf32>, vector<512x16xf32>, vector<256x16xf32> -> vector<256x16xf32>
    %get3A_110 = arith.constant 0 : index
    %get3A_111 = arith.constant 0 : index
    %get3A_112 = vector.load %arg9[%get3A_110, %get3A_111] : memref<1x16xf32, #tpu.memory_space<vmem>>, vector<1x16xf32>
    %add3A_113 = vector.broadcast %get3A_112 : vector<1x16xf32> to vector<256x16xf32>
    %add3A_114 = arith.addf %dot_general3A_109, %add3A_113 : vector<256x16xf32>
    %get3A_115 = arith.constant 0 : index
    %get3A_116 = arith.constant 0 : index
    %get3A_117 = vector.load %arg10[%get3A_115, %get3A_116] : memref<512x512xf32, #tpu.memory_space<vmem>>, vector<512x512xf32>
    %dot_general3A_118 = arith.constant dense<0.000000e+00> : vector<256x512xf32>
    %dot_general3A_119 = tpu.matmul %select_n3A_75, %get3A_117, %dot_general3A_118 {dimension_numbers = #tpu.dot_dimension_numbers<[1], [0], [0], [1], [0, 0, 1, 1], [], []>, transpose_lhs_hint = false} : vector<256x512xf32>, vector<512x512xf32>, vector<256x512xf32> -> vector<256x512xf32>
    %get3A_120 = arith.constant 0 : index
    %get3A_121 = arith.constant 0 : index
    %get3A_122 = vector.load %arg11[%get3A_120, %get3A_121] : memref<16x512xf32, #tpu.memory_space<vmem>>, vector<16x512xf32>
    %dot_general3A_123 = arith.constant dense<0.000000e+00> : vector<256x512xf32>
    %dot_general3A_124 = tpu.matmul %add3A_114, %get3A_122, %dot_general3A_123 {dimension_numbers = #tpu.dot_dimension_numbers<[1], [0], [0], [1], [0, 0, 1, 1], [], []>, transpose_lhs_hint = false} : vector<256x16xf32>, vector<16x512xf32>, vector<256x512xf32> -> vector<256x512xf32>
    %add3A_125 = arith.addf %dot_general3A_119, %dot_general3A_124 : vector<256x512xf32>
    %get3A_126 = arith.constant 0 : index
    %get3A_127 = arith.constant 0 : index
    %get3A_128 = vector.load %arg12[%get3A_126, %get3A_127] : memref<1x512xf32, #tpu.memory_space<vmem>>, vector<1x512xf32>
    %add3A_129 = vector.broadcast %get3A_128 : vector<1x512xf32> to vector<256x512xf32>
    %add3A_130 = arith.addf %add3A_125, %add3A_129 : vector<256x512xf32>
    %max3A_131 = arith.constant 0.000000e+00 : f32
    %max3A_132 = vector.broadcast %max3A_131 : f32 to vector<256x512xf32>
    %max3A_133 = arith.maximumf %add3A_130, %max3A_132 : vector<256x512xf32>
    %get3A_134 = arith.constant 0 : index
    %get3A_135 = arith.constant 0 : index
    %get3A_136 = vector.load %arg13[%get3A_134, %get3A_135] : memref<512x512xf32, #tpu.memory_space<vmem>>, vector<512x512xf32>
    %dot_general3A_137 = arith.constant dense<0.000000e+00> : vector<256x512xf32>
    %dot_general3A_138 = tpu.matmul %max3A_133, %get3A_136, %dot_general3A_137 {dimension_numbers = #tpu.dot_dimension_numbers<[1], [0], [0], [1], [0, 0, 1, 1], [], []>, transpose_lhs_hint = false} : vector<256x512xf32>, vector<512x512xf32>, vector<256x512xf32> -> vector<256x512xf32>
    %get3A_139 = arith.constant 0 : index
    %get3A_140 = arith.constant 0 : index
    %get3A_141 = vector.load %arg14[%get3A_139, %get3A_140] : memref<1x512xf32, #tpu.memory_space<vmem>>, vector<1x512xf32>
    %add3A_142 = vector.broadcast %get3A_141 : vector<1x512xf32> to vector<256x512xf32>
    %add3A_143 = arith.addf %dot_general3A_138, %add3A_142 : vector<256x512xf32>
    %max3A_144 = arith.constant 0.000000e+00 : f32
    %max3A_145 = vector.broadcast %max3A_144 : f32 to vector<256x512xf32>
    %max3A_146 = arith.maximumf %add3A_143, %max3A_145 : vector<256x512xf32>
    %get3A_147 = arith.constant 0 : index
    %get3A_148 = arith.constant 0 : index
    %get3A_149 = vector.load %arg15[%get3A_147, %get3A_148] : memref<512x16xf32, #tpu.memory_space<vmem>>, vector<512x16xf32>
    %dot_general3A_150 = arith.constant dense<0.000000e+00> : vector<256x16xf32>
    %dot_general3A_151 = tpu.matmul %max3A_146, %get3A_149, %dot_general3A_150 {dimension_numbers = #tpu.dot_dimension_numbers<[1], [0], [0], [1], [0, 0, 1, 1], [], []>, transpose_lhs_hint = false} : vector<256x512xf32>, vector<512x16xf32>, vector<256x16xf32> -> vector<256x16xf32>
    %get3A_152 = arith.constant 0 : index
    %get3A_153 = arith.constant 0 : index
    %get3A_154 = vector.load %arg16[%get3A_152, %get3A_153] : memref<1x16xf32, #tpu.memory_space<vmem>>, vector<1x16xf32>
    %add3A_155 = vector.broadcast %get3A_154 : vector<1x16xf32> to vector<256x16xf32>
    %add3A_156 = arith.addf %dot_general3A_151, %add3A_155 : vector<256x16xf32>
    %swap3A = arith.constant 0 : index
    %swap3A_157 = arith.constant 0 : index
    %swap3A_158 = vector.load %arg17[%swap3A, %swap3A_157] : memref<256x16xf32, #tpu.memory_space<vmem>>, vector<256x16xf32>
    tpu.vector_store %arg17[%swap3A, %swap3A_157], %add3A_156 {strides = array<i32>} : memref<256x16xf32, #tpu.memory_space<vmem>>, vector<256x16xf32>,
    return
  }
  func.func @transform_0(%arg0: i32) -> (i32, i32) {
    %c0_i32 = arith.constant 0 : i32
    %c0_i32_0 = arith.constant 0 : i32
    %c0_i32_1 = arith.constant 0 : i32
    return %c0_i32, %c0_i32_0 : i32, i32
  }
  func.func @transform_1(%arg0: i32) -> (i32, i32) {
    %c0_i32 = arith.constant 0 : i32
    %c0_i32_0 = arith.constant 0 : i32
    return %arg0, %c0_i32 : i32, i32
  }
  func.func @transform_2(%arg0: i32) -> (i32, i32) {
    %c0_i32 = arith.constant 0 : i32
    %c0_i32_0 = arith.constant 0 : i32
    %c0_i32_1 = arith.constant 0 : i32
    return %c0_i32, %c0_i32_0 : i32, i32
  }
  func.func @transform_3(%arg0: i32) -> (i32, i32) {
    %c0_i32 = arith.constant 0 : i32
    %c0_i32_0 = arith.constant 0 : i32
    %c0_i32_1 = arith.constant 0 : i32
    return %c0_i32, %c0_i32_0 : i32, i32
  }
  func.func @transform_4(%arg0: i32) -> (i32, i32) {
    %c0_i32 = arith.constant 0 : i32
    %c0_i32_0 = arith.constant 0 : i32
    %c0_i32_1 = arith.constant 0 : i32
    return %c0_i32, %c0_i32_0 : i32, i32
  }
  func.func @transform_5(%arg0: i32) -> (i32, i32) {
    %c0_i32 = arith.constant 0 : i32
    %c0_i32_0 = arith.constant 0 : i32
    %c0_i32_1 = arith.constant 0 : i32
    return %c0_i32, %c0_i32_0 : i32, i32
  }
  func.func @transform_6(%arg0: i32) -> (i32, i32) {
    %c0_i32 = arith.constant 0 : i32
    %c0_i32_0 = arith.constant 0 : i32
    %c0_i32_1 = arith.constant 0 : i32
    return %c0_i32, %c0_i32_0 : i32, i32
  }
  func.func @transform_7(%arg0: i32) -> (i32, i32) {
    %c0_i32 = arith.constant 0 : i32
    %c0_i32_0 = arith.constant 0 : i32
    %c0_i32_1 = arith.constant 0 : i32
    return %c0_i32, %c0_i32_0 : i32, i32
  }
  func.func @transform_8(%arg0: i32) -> (i32, i32) {
    %c0_i32 = arith.constant 0 : i32
    %c0_i32_0 = arith.constant 0 : i32
    %c0_i32_1 = arith.constant 0 : i32
    return %c0_i32, %c0_i32_0 : i32, i32
  }
  func.func @transform_9(%arg0: i32) -> (i32, i32) {
    %c0_i32 = arith.constant 0 : i32
    %c0_i32_0 = arith.constant 0 : i32
    %c0_i32_1 = arith.constant 0 : i32
    return %c0_i32, %c0_i32_0 : i32, i32
  }
  func.func @transform_10(%arg0: i32) -> (i32, i32) {
    %c0_i32 = arith.constant 0 : i32
    %c0_i32_0 = arith.constant 0 : i32
    %c0_i32_1 = arith.constant 0 : i32
    return %c0_i32, %c0_i32_0 : i32, i32
  }
  func.func @transform_11(%arg0: i32) -> (i32, i32) {
    %c0_i32 = arith.constant 0 : i32
    %c0_i32_0 = arith.constant 0 : i32
    %c0_i32_1 = arith.constant 0 : i32
    return %c0_i32, %c0_i32_0 : i32, i32
  }
  func.func @transform_12(%arg0: i32) -> (i32, i32) {
    %c0_i32 = arith.constant 0 : i32
    %c0_i32_0 = arith.constant 0 : i32
    %c0_i32_1 = arith.constant 0 : i32
    return %c0_i32, %c0_i32_0 : i32, i32
  }
  func.func @transform_13(%arg0: i32) -> (i32, i32) {
    %c0_i32 = arith.constant 0 : i32
    %c0_i32_0 = arith.constant 0 : i32
    %c0_i32_1 = arith.constant 0 : i32
    return %c0_i32, %c0_i32_0 : i32, i32
  }
  func.func @transform_14(%arg0: i32) -> (i32, i32) {
    %c0_i32 = arith.constant 0 : i32
    %c0_i32_0 = arith.constant 0 : i32
    %c0_i32_1 = arith.constant 0 : i32
    return %c0_i32, %c0_i32_0 : i32, i32
  }
  func.func @transform_15(%arg0: i32) -> (i32, i32) {
    %c0_i32 = arith.constant 0 : i32
    %c0_i32_0 = arith.constant 0 : i32
    %c0_i32_1 = arith.constant 0 : i32
    return %c0_i32, %c0_i32_0 : i32, i32
  }
  func.func @transform_16(%arg0: i32) -> (i32, i32) {
    %c0_i32 = arith.constant 0 : i32
    %c0_i32_0 = arith.constant 0 : i32
    return %arg0, %c0_i32 : i32, i32
  }
}

</mosaic_0001>

<sc_bundles>
// kernel: kernel.11.cloned.1.call-start
scs
__scs_entry_jumppad:
0x0: {  	(pc) =	sbr.rel $0x88, $3  }
0x1: {  	(tag) =	ssettag $0x0;
	lr =	simm.s32 $0x1  }
0x2: {  	[smem:$0x3F86] =	sst lr;
	_ =	strace $0xD0000000  }
0x3: {  	_ = 	snop  }
0x4: {  	_ = 	snop  }
0x5: {  	_ = 	snop  }
0x6: {  	_ = 	snop  }
0x7: {  	_ = 	snop  }
__scs_overlays_trampoline_lowered:
0x8: {  	[smem:$0x3F95] =	sst s0  }
0x9: {  	[smem:$0x3F96] =	sst s1  }
0xa: {  	[smem:$0x3F97] =	sst s2  }
0xb: {  	[smem:$0x3F98] =	sst s3  }
0xc: {  	[smem:$0x3F99] =	sst s4  }
0xd: {  	[smem:$0x3F9A] =	sst s5  }
0xe: {  	[smem:$0x3F9B] =	sst s6  }
0xf: {  	[smem:$0x3F9C] =	sst s7  }
0x10: {  	[smem:$0x3F9D] =	sst s8  }
0x11: {  	[smem:$0x3F9E] =	sst s9;
	s0 =	simm.s32 @!p0 $0x0  }
0x12: {  	s1 =	sld [smem:$0x3F84];
	s0 =	simm.s32 @p0 $0x1  }
0x13: {  	[smem:$0x3F9F] =	sst s0;
	s0 =	simm.s32 @!p1 $0x0  }
0x14: {  	s2 =	sld [smem:$0x3F83];
	s0 =	simm.s32 @p1 $0x1  }
0x15: {  	[smem:$0x3FA0] =	sst s0;
	s0 =	simm.s32 @!p2 $0x0  }
0x16: {  	s3 =	sld [smem:$0x3FDB];
	s0 =	simm.s32 @p2 $0x1  }
0x17: {  	s4 =	simm.s32 $0x1BF5;
	[smem:$0x3FA2] =	sst s0  }
0x18: {  	s0 =	sld [smem:$0x3F85];
	_ =	swait.ge [sflag:s4], $0x0  }
0x19: {  	s7 =	sld [smem:$0x3F86]  }
0x1a: {  	s8 =	sadd.s32 $0xFFFFE003, lr  }
0x1b: {  	s9 =	sadd.s32 $0xFFFFFEF7, lr;
	s5 =	simm.s32 $0xFFFFFFFF;
	p2 =	slt.u32 s8, $0xFFFFF086  }
0x1c: {  	p1 =	slt.u32 s9, $0xF7A;
	s5 =	simm.s32 @!p2 $0x0  }
0x1d: {  	s5 =	simm.s32 @p1 $0x1;
	p0 =	seq.s32 s7, s2  }
0x1e: {  	s7 =	smul.u32 @!p0 $0xF7A, s2;
	p2 =	seq.s32 @!p0 s5, $0x0  }
0x1f: {  	s9 =	smul.u32 $0xF7A, s1;
	s8 =	simm.s32 @!p0 $0x1BF5;
	p2 =	por !p2, p0  }
0x20: {  	[sflag:s8] =	ssyncset.s32 @!p0 $0xFFFFF086;
	s6 =	sadd.s32 @!p0 s3, s7;
	s7 =	simm.s32 @!p0 $0x108  }
0x21: {  	s3 =	sadd.s32 s3, s9;
	s6 =	sadd.s32 @!p0 $0x88, s6;
	s7 =	simm.s32 @p2 $0x1082  }
0x22: {  	[simem:s7], [sflag:s8] =	dma.local @!p0 [hbm:s6], $0xF7A  }
0x23: {  	s9 =	sor.u32 $0xD0000000, s2;
	s6 =	simm.s32 $0x108;
	_ =	swait.ge @!p0 [sflag:s8], $0x0  }
0x24: {  	s3 =	sadd.s32 $0x88, s3;
	s6 =	simm.s32 @!p1 $0x1082;
	[sflag:s4] =	ssyncset.s32 $0xFFFFF086  }
0x25: {  	[simem:s6], [sflag:s4] =	dma.local [hbm:s3], $0xF7A  }
0x26: {  	[smem:$0x3F86] =	sst s1;
	(tag) =	ssettag s2;
	_ =	strace s9  }
0x27: {  	s1 =	sld [smem:$0x3F96]  }
0x28: {  	s2 =	sld [smem:$0x3F97]  }
0x29: {  	s4 =	sld [smem:$0x3F99]  }
0x2a: {  	p0 =	seq.s32 s5, $0x0;
	s5 =	sld [smem:$0x3F9A]  }
0x2b: {  	s6 =	sld [smem:$0x3F9B]  }
0x2c: {  	s7 =	sld [smem:$0x3F9C]  }
0x2d: {  	s3 =	simm.s32 $0x108;
	s8 =	sld [smem:$0x3F9D]  }
0x2e: {  	s3 =	simm.s32 @!p0 $0x1082;
	s9 =	sld [smem:$0x3F9E]  }
0x2f: {  	lr =	sadd.s32 s0, s3;
	s0 =	sld [smem:$0x3F95]  }
0x30: {  	s3 =	sld [smem:$0x3F98]  }
0x31: {  	[smem:$0x3FA1] =	sst s10  }
0x32: {  	s10 =	sld [smem:$0x3F9F];
	_ =	sdelay $0x3  }
0x33: {  	p0 =	seq.s32 s10, $0x1;
	s10 =	sld [smem:$0x3FA1];
	_ =	sdelay $0x3  }
0x34: {  	[smem:$0x3FA1] =	sst s10  }
0x35: {  	s10 =	sld [smem:$0x3FA0];
	_ =	sdelay $0x3  }
0x36: {  	p1 =	seq.s32 s10, $0x1;
	s10 =	sld [smem:$0x3FA1];
	_ =	sdelay $0x3  }
0x37: {  	[smem:$0x3FA1] =	sst s10  }
0x38: {  	s10 =	sld [smem:$0x3FA2]  }
0x39: {  	_ = 	snop;
	(pc) =	sbr.ind lr, $3  }
0x3a: {  	_ = 	snop  }
0x3b: {  	_ = 	snop  }
0x3c: {  	p2 =	seq.s32 s10, $0x1;
	s10 =	sld [smem:$0x3FA1]  }
0x3d: {  	_ =	shalt  }
0x3e: {  	_ =	shalt  }
0x3f: {  	_ =	shalt  }
0x40: {  	_ =	shalt  }
0x41: {  	_ =	shalt  }
0x42: {  	_ =	shalt  }
0x43: {  	_ =	shalt  }
0x44: {  	_ =	shalt  }
0x45: {  	_ =	shalt  }
0x46: {  	_ =	shalt  }
0x47: {  	_ =	shalt  }
0x48: {  	_ =	shalt  }
0x49: {  	_ =	shalt  }
0x4a: {  	_ =	shalt  }
0x4b: {  	_ =	shalt  }
0x4c: {  	_ =	shalt  }
0x4d: {  	_ =	shalt  }
0x4e: {  	_ =	shalt  }
0x4f: {  	_ =	shalt  }
0x50: {  	_ =	shalt  }
0x51: {  	_ =	shalt  }
0x52: {  	_ =	shalt  }
0x53: {  	_ =	shalt  }
0x54: {  	_ =	shalt  }
0x55: {  	_ =	shalt  }
0x56: {  	_ =	shalt  }
0x57: {  	_ =	shalt  }
0x58: {  	_ =	shalt  }
0x59: {  	_ =	shalt  }
0x5a: {  	_ =	shalt  }
0x5b: {  	_ =	shalt  }
0x5c: {  	_ =	shalt  }
0x5d: {  	_ =	shalt  }
0x5e: {  	_ =	shalt  }
0x5f: {  	_ =	shalt  }
0x60: {  	_ =	shalt  }
0x61: {  	_ =	shalt  }
0x62: {  	_ =	shalt  }
0x63: {  	_ =	shalt  }
0x64: {  	_ =	shalt  }
0x65: {  	_ =	shalt  }
0x66: {  	_ =	shalt  }
0x67: {  	_ =	shalt  }
0x68: {  	_ =	shalt  }
0x69: {  	_ =	shalt  }
0x6a: {  	_ =	shalt  }
0x6b: {  	_ =	shalt  }
0x6c: {  	_ =	shalt  }
0x6d: {  	_ =	shalt  }
0x6e: {  	_ =	shalt  }
0x6f: {  	_ =	shalt  }
0x70: {  	_ =	shalt  }
0x71: {  	_ =	shalt  }
0x72: {  	_ =	shalt  }
0x73: {  	_ =	shalt  }
0x74: {  	_ =	shalt  }
0x75: {  	_ =	shalt  }
0x76: {  	_ =	shalt  }
0x77: {  	_ =	shalt  }
0x78: {  	_ =	shalt  }
0x79: {  	_ =	shalt  }
0x7a: {  	_ =	shalt  }
0x7b: {  	_ =	shalt  }
0x7c: {  	_ =	shalt  }
0x7d: {  	_ =	shalt  }
0x7e: {  	_ =	shalt  }
0x7f: {  	_ =	shalt  }
0x80: {  	_ =	shalt  }
0x81: {  	_ =	shalt  }
0x82: {  	_ =	shalt  }
0x83: {  	_ =	shalt  }
0x84: {  	_ =	shalt  }
0x85: {  	_ =	shalt  }
0x86: {  	_ =	shalt  }
0x87: {  	_ =	shalt  }
.Lfunc_end0:
.L_simem_size_0:
called_computation.1_lowered:
.L_overlay_start_0:
0x88: {  	s2 =	sld [smem:$0x3FD9]  }
0x89: {  	s3 =	sld [smem:$0x3FFE];
	_ =	sdelay $0x1  }
0x8a: {  	s1 =	srdreg.scid  }
0x8b: {  	s0 =	sand.u32 $0x1, s1  }
0x8c: {  	s16 =	sshll.u32 s0, $0xA;
	s2 =	sadd.s32 s3, s2  }
0x8d: {  	s2 =	sadd.s32 s2, s16  }
0x8e: {  	[smem:$0x3FAD] =	sst s2  }
0x8f: {  	_ = 	snop  }
0x90: {  	(tm) =	ssettm $0x1  }
0x91: {  	s17 =	sld [smem:$0x3FFB];
	_ =	sdelay $0x3  }
0x92: {  	_ =	strace s17  }
0x93: {  	s2 =	sld [smem:$0x3FFC];
	_ =	sdelay $0x3  }
0x94: {  	_ =	strace s2  }
0x95: {  	s2 =	sld [smem:$0x3FFD];
	_ =	sdelay $0x3  }
0x96: {  	_ =	strace s2  }
0x97: {  	_ =	strace $0x8FFFFFFF  }
0x98: {  	s18 =	sld [smem:$0x3FDB];
	_ =	sdelay $0x1  }
0x99: {  	s19 =	simm.s32 $_scs_section_size  }
0x9a: {  	s4 =	simm.s32 $_size__tile_overlayer_lowered;
	s5 =	simm.s32 $_tile_overlayer_lowered  }
0x9b: {  	s22 =	simm.s32 $0x1BFF;
	s21 =	sshll.u32 s5, $0x1;
	s2 =	sadd.s32 s19, s18  }
0x9c: {  	s6 =	simm.s32 $0x0;
	s20 =	sshll.u32 s4, $0x1;
	s4 =	sadd.s32 s21, s2  }
0x9d: {  	[timem:s6], [sflag:s22] =	dma.local [hbm:s4], s20  }
0x9e: {  	_ =	swait.ge [sflag:s22], s20  }
0x9f: {  	s3 =	ssub.s32 $0x0, s20;
	[sflag:s22] =	ssyncset.done $0x0  }
0xa0: {  	[sflag:s22] =	ssyncadd.s32 s3;
	_ =	sdelay $0x1  }
0xa1: {  	s23 =	simm.s32 $0x1B8B  }
0xa2: {  	_ =	swait.ge [sflag:s23], $0x1  }
0xa3: {  	[sflag:s23] =	ssyncset.done $0x0  }
0xa4: {  	s25 =	simm.s32 $0x1B8E;
	s24 =	sld [smem:$0x3FFE];
	[sflag:s23] =	ssyncadd.s32 $0xFFFFFFFF  }
0xa5: {  	s26 =	simm.s32 $execute0_lowered;
	[smem:$0x3FD2] =	sst s25  }
0xa6: {  	s4 =	sshll.u32 s26, $0x1;
	_ =	strace $0x80000049;
	[dreg:$0x1] =	wrdreg $0xFFFFFFFF  }
0xa7: {  	s28 =	simm.s32 $_size_execute0_lowered;
	s2 =	sadd.s32 s2, s4;
	[dreg:$0x0] =	wrdreg $0x0  }
0xa8: {  	s4 =	sshll.u32 s28, $0x1;
	[dreg:$0x2] =	wrdreg s2  }
0xa9: {  	[dreg:$0x3] =	wrdreg s4  }
0xaa: {  	[dreg:$0x4] =	wrdreg $0xC0  }
0xab: {  	_ =	task [dreg:s6], $0x5FFFF  }
0xac: {  	[dreg:$0x1] =	wrdreg $0xFFFFFFFF  }
0xad: {  	[dreg:$0x0] =	wrdreg $0x60  }
0xae: {  	[dreg:$0x2] =	wrdreg s24  }
0xaf: {  	[dreg:$0x3] =	wrdreg $0x9  }
0xb0: {  	_ =	task.clear_ibuf [dreg:s6], $0x4FFFF;
	_ =	strace $0x90000049  }
0xb1: {  	s29 =	simm.s32 $0x9;
	_ =	strace $0x8000004B  }
0xb2: {  	_ =	swait.ge [sflag:s29], $0x1  }
0xb3: {  	[sflag:s29] =	ssyncadd.s32 $0xFFFFFFFF  }
0xb4: {  	_ =	strace $0x9000004B  }
0xb5: {  	_ =	sfence  }
0xb6: {  	s30 =	sld [smem:$0x0];
	_ =	sdelay $0x2  }
0xb7: {  	s31 =	sshll.u32 s1, $0xD;
	s1 =	sshrl.u32 s1, $0x2  }
0xb8: {  	s3 =	sand.u32 $0x4000, s31;
	s1 =	sadd.s32 s1, s30  }
0xb9: {  	s0 =	sor.u32 s3, s0;
	s1 =	sshll.u32 s1, $0x11  }
0xba: {  	s0 =	sor.u32 s1, s0  }
0xbb: {  	s0 =	sadd.s32 $0x8F2B, s0  }
0xbc: {  	[sflag:s0] =	ssyncadd.remote.s32 $0x1  }
0xbd: {  	_ =	sfence.sel $0xFFFF  }
0xbe: {  	[dreg:$0x0] =	wrdreg $0xFFFFFFFF;
	(pc) =	sbr.abs _section_cstart, $3  }
0xbf: {  	[dreg:$0x1] =	wrdreg $0xFFFFFFFF  }
0xc0: {  	_ =	task.clear_ibuf [dreg:s6], $0x2FFFF;
	_ =	strace $0x9FFFFFFF  }
0xc1: {  	(tm) =	ssettm $0x7FFFFFFF  }
tec
execute0_lowered:
.L_overlay_start_1:
0x0: {  	(tag) =	ssettag $0x1  }
0x1: {  	s1 =	srdreg.scid  }
0x2: {  	s0 =	stileid.u32;
	s6 =	rddreg [dreg:$0x0]  }
0x3: {  	s2 =	simm.s32 $0x0;
	s11 =	simm.s32 $0x2;
	s12 =	simm.s32 $0x1400  }
0x4: {  	s13 =	simm.s32 $0x5000;
	s14 =	simm.s32 $0x5800;
	s15 =	simm.s32 $0x3C00  }
0x5: {  	s16 =	simm.s32 $0x80;
	s17 =	simm.s32 $0x1;
	s18 =	simm.s32 $0x0  }
0x6: {  	s3 =	sand.u32 $0x1, s1;
	s4 =	sshll.u32 s0, $0x1;
	[smem:$0x7FF] =	sst s2  }
0x7: {  	s1 =	rddreg [dreg:$0x1];
	s4 =	sor.u32 s3, s4;
	_ =	strace $0x8000004A  }
0x8: {  	s7 =	ssub.s32 $0x2, s3;
	s5 =	smul.u32 $0x280, s4;
	s4 =	sshll.u32 s4, $0x8  }
0x9: {  	s3 =	sadd.s32 $0x3E00, s6;
	s10 =	sshrl.u32 s7, $0x1;
	s9 =	sadd.s32 s4, s6  }
0xa: {  	s4 =	sadd.s32 $0xDE00, s6;
	s10 =	ssub.s32 s7, s10;
	s8 =	sadd.s32 s5, s6  }
0xb: {  	v0 =	vlaneseq.u32;
	s5 =	sadd.s32 $0x6C000, s6;
	s6 =	sadd.s32 $0x15000, s6;
	s9 =	sadd.s32 $0xE000, s9  }
0xc: {  	v1 =	vimm.s32 $0xFFFFFFFF;
	v2 =	vor.u32 $0x80000000, v0;
	v3 =	vadd.s32 $0x1, v0;
	s10 =	smax.u32 s10, $0x1;
	s7 =	sadd.s32 $0x8E00, s8;
	s8 =	sadd.s32 $0x10000, s8  }
.LBB2_1:
0xd: {  	[tilespmem:s2], [sflag:$0x2] =	stream.linear.gather [hbm4b:s7+s2], $0x1400, $0x38;
	[tilespmem:$0x1A030] =	vst v63  }
0xe: {  	_ =	swait.ge [sflag:s11], $0x1400  }
0xf: {  	[sflag:s11] =	ssyncset.done $0x0  }
0x10: {  	[sflag:s11] =	ssyncadd.s32 $0xFFFFEC00  }
0x11: {  	[tilespmem:s12], [sflag:$0x2] =	stream.linear.gather [hbm4b:s8+s2], $0x1400, $0x38;
	[tilespmem:$0x1A030] =	vst v63  }
0x12: {  	_ =	swait.ge [sflag:s11], $0x1400  }
0x13: {  	[sflag:s11] =	ssyncset.done $0x0  }
0x14: {  	[sflag:s11] =	ssyncadd.s32 $0xFFFFEC00  }
0x15: {  	[tilespmem:s13], [sflag:$0x2] =	stream.linear.gather [hbm4b:s9+s2], $0x800, $0x38;
	[tilespmem:$0x1A030] =	vst v63  }
0x16: {  	_ =	swait.ge [sflag:s11], $0x800  }
0x17: {  	[sflag:s11] =	ssyncset.done $0x0  }
0x18: {  	[sflag:s11] =	ssyncadd.s32 $0xFFFFF800  }
0x19: {  	[tilespmem:s14], [sflag:$0x2] =	stream.linear.gather [hbm4b:s4+s2], $0x800, $0x38;
	[tilespmem:$0x1A030] =	vst v63  }
0x1a: {  	_ =	swait.ge [sflag:s11], $0x800  }
0x1b: {  	[sflag:s11] =	ssyncset.done $0x0  }
0x1c: {  	[sflag:s11] =	ssyncadd.s32 $0xFFFFF800  }
0x1d: {  	[tilespmem:$0x6000] =	vst v1  }
0x1e: {  	[tilespmem:$0x6020] =	vst v1  }
0x1f: {  	v4 =	vld [tilespmem:s2+$0x0];
	_ =	sdelay $0x4  }
0x20: {  	v5 =	vxor.u32 $0x80000000, v4  }
0x21: {  	(xrf1) =	vsort.ascd.msk.u32 $0xffff, v5, v0;
	_ =	sdelay $0x9  }
0x22: {  	v4 =	vld.idx.msk [tilespmem:v4+s14+$0x0], $0xffff;
	_ =	sdelay $0x3  }
0x23: {  	s19 =	simm.s32 $0x2800;
	v5, v6, _ =	vpop (xrf1)  }
0x24: {  	[tilespmem:s19+$0x0] =	vst v4;
	v7 =	vxor.u32 $0x80000000, v5  }
0x25: {  	[tilespmem:$0x6010] =	vst v7  }
0x26: {  	v4 =	vld [tilespmem:$0x600F];
	_ =	sdelay $0x4  }
0x27: {  	vm0 =	veq.s32 v7, v4  }
0x28: {  	v5 =	vsel vm0, $0x80000000, v2  }
0x29: {  	(xrf0) =	vmax.scan.msk.u32 $0xffff, v5  }
0x2a: {  	v4 =	vld [tilespmem:$0x6011];
	_ =	sdelay $0x1  }
0x2b: {  	v5 =	vld.idx.msk [tilespmem:v7+s13+$0x0], $0xffff;
	_ =	sdelay $0x1  }
0x2c: {  	s20 =	sand.u32 $0x70, s2  }
0x2d: {  	s31 =	simm.s32 $0x0;
	v8 =	vadd.s32 s20, v6;
	vm15 =	vne.s32 v7, v4;
	v4, _, _ =	vpop (xrf0)  }
0x2e: {  	s20 =	sand.u32 $0xFFFFFF80, s31;
	v8 =	vand.u32 $0xFFFFFFF8, v8;
	v4 =	vxor.u32 $0x80000000, v4  }
0x2f: {  	v6 =	vand.u32 $0x7, v6;
	v5 =	vsub.s32 v5, v4;
	v4 =	vadd.s32 s20, v8  }
0x30: {  	v4 =	vor.u32 v6, v4;
	_ =	sdelay $0x2  }
0x31: {  	v63 =	vadd.s32 v3, v5  }
0x32: {  	s21 =	simm.s32 $0x0;
	s22 =	simm.s32 $0x0;
	s20 =	simm.s32 $0x1;
	v5 =	vadd.s32 v0, v5;
	[tilespmem:v7+s13+$0x0] =	vst.idx.msk vm15, v63  }
.LBB2_2:
0x33: {  	[tilespmem:v4+s15+$0x0] =	vst.idx.msk $0xffff, v5;
	s21 =	sadd.s32 $0x10, s21;
	s22 =	sadd.s32 $0x10, s22;
	s19 =	sadd.s32 $0x10, s19  }
0x34: {  	p0 =	sne.s32 s20, $0x13F;
	s23 =	smov.u32 s20;
	s20 =	sadd.s32 $0x1, s20;
	v4 =	vld [tilespmem:s22+$0x0]  }
0x35: {  	_ =	sdelay $0x3  }
0x36: {  	v5 =	vxor.u32 $0x80000000, v4  }
0x37: {  	(xrf1) =	vsort.ascd.msk.u32 $0xffff, v5, v0;
	_ =	sdelay $0x8  }
0x38: {  	v4 =	vld.idx.msk [tilespmem:v4+s14+$0x0], $0xffff;
	_ =	sdelay $0x4  }
0x39: {  	s24 =	sand.u32 $0x70, s21;
	v5, v6, _ =	vpop (xrf1)  }
0x3a: {  	s23 =	sshll.u32 s23, $0x4;
	[tilespmem:s19+$0x0] =	vst v4;
	v7 =	vxor.u32 $0x80000000, v5;
	v4 =	vadd.s32 s24, v6  }
0x3b: {  	s23 =	sand.u32 $0xFFFFFF80, s23;
	[tilespmem:$0x6010] =	vst v7;
	v4 =	vand.u32 $0xFFFFFFF8, v4  }
0x3c: {  	v5 =	vld [tilespmem:$0x600F];
	v4 =	vadd.s32 s23, v4;
	_ =	sdelay $0x4  }
0x3d: {  	vm0 =	veq.s32 v7, v5  }
0x3e: {  	v5 =	vld [tilespmem:$0x6011];
	v8 =	vsel vm0, $0x80000000, v2  }
0x3f: {  	(xrf0) =	vmax.scan.msk.u32 $0xffff, v8;
	_ =	sdelay $0x1  }
0x40: {  	v8 =	vld.idx.msk [tilespmem:v7+s13+$0x0], $0xffff;
	_ =	sdelay $0x1  }
0x41: {  	vm0 =	vne.s32 v7, v5  }
0x42: {  	v6 =	vand.u32 $0x7, v6  }
.Ltmp0:
0x43: {  	v4 =	vor.u32 v6, v4;
	v5, _, _ =	vpop (xrf0);
	(pc) =	sbr.rel @p0 .LBB2_2-.Ltmp0, $4  }
0x44: {  	v5 =	vxor.u32 $0x80000000, v5  }
0x45: {  	v5 =	vsub.s32 v8, v5  }
0x46: {  	v6 =	vadd.s32 v3, v5  }
0x47: {  	v5 =	vadd.s32 v0, v5;
	[tilespmem:v7+s13+$0x0] =	vst.idx.msk vm0, v6  }
0x48: {  	_ =	sdelay $0x3  }
0x49: {  	[tilespmem:v4+s15+$0x0] =	vst.idx.msk $0xffff, v5;
	s19 =	simm.s32 $0x6030;
	s20 =	simm.s32 $0x1400  }
0x4a: {  	[tilespmem:s19], [sflag:$0x1] =	stream.indirect.gather [hbm4b:s3+s16], $0x10, s20, s16, $0xb8;
	[tilespmem:$0x1A030] =	vst v63  }
0x4b: {  	s20 =	simm.s32 $0x200  }
.LBB2_4:
0x4c: {  	p0 =	sne.s32 s20, $0x4E00  }
.Ltmp1:
0x4d: {  	_ = 	snop;
	(pc) =	sbr.rel @p0 .LBB2_4-.Ltmp1, $4  }
0x4e: {  	_ = 	snop  }
0x4f: {  	s21 =	sshra.s32 s20, $0x2;
	s20 =	sadd.s32 $0x200, s20  }
0x50: {  	s19 =	sadd.s32 $0x800, s19;
	s21 =	sadd.s32 $0x1400, s21  }
0x51: {  	[tilespmem:s19], [sflag:$0x1] =	stream.indirect.gather [hbm4b:s3+s16], $0x10, s21, s16, $0xb8;
	[tilespmem:$0x1A030] =	vst v63  }
0x52: {  	_ =	swait.ge [sflag:s17], $0x14000  }
0x53: {  	[sflag:s17] =	ssyncset.done $0x0  }
0x54: {  	s19 =	simm.s32 $0x6030;
	s20 =	simm.s32 $0x3C00;
	[sflag:s17] =	ssyncadd.s32 $0xFFFEC000  }
0x55: {  	[hbm4b:s5+s16] =	stream.indirect.scatter [tilespmem:s19], [sflag:$0x1], $0x10, s20, s16, $0xb8;
	[tilespmem:$0x1A030] =	vst v63  }
0x56: {  	s20 =	simm.s32 $0x200  }
.LBB2_6:
0x57: {  	p0 =	sne.s32 s20, $0x4E00  }
.Ltmp2:
0x58: {  	_ = 	snop;
	(pc) =	sbr.rel @p0 .LBB2_6-.Ltmp2, $4  }
0x59: {  	_ = 	snop  }
0x5a: {  	s21 =	sshra.s32 s20, $0x2;
	s20 =	sadd.s32 $0x200, s20  }
0x5b: {  	s19 =	sadd.s32 $0x800, s19;
	s21 =	sadd.s32 $0x3C00, s21  }
0x5c: {  	[hbm4b:s5+s16] =	stream.indirect.scatter [tilespmem:s19], [sflag:$0x1], $0x10, s21, s16, $0xb8;
	[tilespmem:$0x1A030] =	vst v63  }
0x5d: {  	_ =	swait.ge [sflag:s17], $0x14000  }
0x5e: {  	[sflag:s17] =	ssyncset.done $0x0  }
0x5f: {  	s19 =	simm.s32 $0x6030;
	s20 =	simm.s32 $0x2800;
	[sflag:s17] =	ssyncadd.s32 $0xFFFEC000  }
0x60: {  	[tilespmem:s19], [sflag:$0x1] =	stream.indirect.gather [hbm4b:s3+s16], $0x10, s20, s16, $0xb8;
	[tilespmem:$0x1A030] =	vst v63  }
0x61: {  	s20 =	simm.s32 $0x200  }
.LBB2_8:
0x62: {  	p0 =	sne.s32 s20, $0x4E00  }
.Ltmp3:
0x63: {  	_ = 	snop;
	(pc) =	sbr.rel @p0 .LBB2_8-.Ltmp3, $4  }
0x64: {  	_ = 	snop  }
0x65: {  	s21 =	sshra.s32 s20, $0x2;
	s20 =	sadd.s32 $0x200, s20  }
0x66: {  	s19 =	sadd.s32 $0x800, s19;
	s21 =	sadd.s32 $0x2800, s21  }
0x67: {  	[tilespmem:s19], [sflag:$0x1] =	stream.indirect.gather [hbm4b:s3+s16], $0x10, s21, s16, $0xb8;
	[tilespmem:$0x1A030] =	vst v63  }
0x68: {  	_ =	swait.ge [sflag:s17], $0x14000  }
0x69: {  	[sflag:s17] =	ssyncset.done $0x0  }
0x6a: {  	s19 =	simm.s32 $0x6030;
	s20 =	simm.s32 $0x3C00;
	[sflag:s17] =	ssyncadd.s32 $0xFFFEC000  }
0x6b: {  	[hbm4b:s6+s16] =	stream.indirect.scatter [tilespmem:s19], [sflag:$0x1], $0x10, s20, s16, $0xb8;
	[tilespmem:$0x1A030] =	vst v63  }
0x6c: {  	s20 =	simm.s32 $0x200  }
.LBB2_10:
0x6d: {  	p0 =	sne.s32 s20, $0x4E00  }
.Ltmp4:
0x6e: {  	_ = 	snop;
	(pc) =	sbr.rel @p0 .LBB2_10-.Ltmp4, $4  }
0x6f: {  	_ = 	snop  }
0x70: {  	s21 =	sshra.s32 s20, $0x2;
	s20 =	sadd.s32 $0x200, s20  }
0x71: {  	s19 =	sadd.s32 $0x800, s19;
	s21 =	sadd.s32 $0x3C00, s21  }
0x72: {  	[hbm4b:s6+s16] =	stream.indirect.scatter [tilespmem:s19], [sflag:$0x1], $0x10, s21, s16, $0xb8;
	[tilespmem:$0x1A030] =	vst v63  }
0x73: {  	s18 =	sadd.s32 $0x1, s18  }
0x74: {  	p0 =	sne.s32 s18, s10  }
.Ltmp5:
0x75: {  	_ = 	snop;
	(pc) =	sbr.rel @p0 .LBB2_1-.Ltmp5, $4  }
0x76: {  	_ = 	snop  }
0x77: {  	_ =	swait.ge [sflag:s17], $0x14000  }
0x78: {  	[sflag:s17] =	ssyncset.done $0x0  }
0x79: {  	[sflag:s17] =	ssyncadd.s32 $0xFFFEC000  }
0x7a: {  	_ =	sfence.sel $0x180000  }
0x7b: {  	[bflag:$0x0] =	sbarrier.arrive $0xFFFF  }
0x7c: {  	p0 =	sne.s32 s0, $0x0;
	_ =	strace $0x9000004A  }
0x7d: {  	s0 =	sadd.s32 @!p0 $0x100000, s1;
	[bflag:$0x2] =	sbarrier.arrive $0xFFFF  }
0x7e: {  	[sflag:s0] =	ssyncadd.tile.s32 @!p0 $0x1;
	_ =	shalt  }
.Lfunc_end2:
_tile_overlayer_lowered:
.L_overlay_start_2:
0x7f: {  	(tag) =	ssettag $0x2  }
0x80: {  	s0 =	rddreg [dreg:$0x0];
	s2 =	stileid.u32  }
0x81: {  	s1 =	rddreg [dreg:$0x1];
	p0 =	sne.s32 s2, $0x0  }
0x82: {  	s3 =	rddreg [dreg:$0x2];
	[bflag:$0x3] =	sbarrier.arrive $0xFFFF;
	s2 =	simm.s32 @!p0 $0x1C02  }
0x83: {  	[timem:s3], [sflag:s2] =	dma.local @!p0 [hbm:s0], s1  }
0x84: {  	s0 =	simm.s32 @!p0 $0x2  }
0x85: {  	_ =	swait.ge @!p0 [sflag:s0], s1  }
0x86: {  	s1 =	ssub.s32 @!p0 $0x0, s1;
	[sflag:s0] =	ssyncset.done @!p0 $0x0  }
0x87: {  	[sflag:s0] =	ssyncadd.s32 @!p0 s1  }
0x88: {  	[bflag:$0x3] =	sbarrier.arrive $0xFFFF  }
0x89: {  	_ =	shalt  }

// kernel: kernel.8.cloned.1.call-start
scs
__scs_entry_jumppad:
0x0: {  	(pc) =	sbr.rel $0x88, $3  }
0x1: {  	(tag) =	ssettag $0x0;
	lr =	simm.s32 $0x1  }
0x2: {  	[smem:$0x3F86] =	sst lr;
	_ =	strace $0xD0000000  }
0x3: {  	_ = 	snop  }
0x4: {  	_ = 	snop  }
0x5: {  	_ = 	snop  }
0x6: {  	_ = 	snop  }
0x7: {  	_ = 	snop  }
__scs_overlays_trampoline_lowered:
0x8: {  	[smem:$0x3F95] =	sst s0  }
0x9: {  	[smem:$0x3F96] =	sst s1  }
0xa: {  	[smem:$0x3F97] =	sst s2  }
0xb: {  	[smem:$0x3F98] =	sst s3  }
0xc: {  	[smem:$0x3F99] =	sst s4  }
0xd: {  	[smem:$0x3F9A] =	sst s5  }
0xe: {  	[smem:$0x3F9B] =	sst s6  }
0xf: {  	[smem:$0x3F9C] =	sst s7  }
0x10: {  	[smem:$0x3F9D] =	sst s8  }
0x11: {  	[smem:$0x3F9E] =	sst s9;
	s0 =	simm.s32 @!p0 $0x0  }
0x12: {  	s1 =	sld [smem:$0x3F84];
	s0 =	simm.s32 @p0 $0x1  }
0x13: {  	[smem:$0x3F9F] =	sst s0;
	s0 =	simm.s32 @!p1 $0x0  }
0x14: {  	s2 =	sld [smem:$0x3F83];
	s0 =	simm.s32 @p1 $0x1  }
0x15: {  	[smem:$0x3FA0] =	sst s0;
	s0 =	simm.s32 @!p2 $0x0  }
0x16: {  	s3 =	sld [smem:$0x3FDB];
	s0 =	simm.s32 @p2 $0x1  }
0x17: {  	s4 =	simm.s32 $0x1BF5;
	[smem:$0x3FA2] =	sst s0  }
0x18: {  	s0 =	sld [smem:$0x3F85];
	_ =	swait.ge [sflag:s4], $0x0  }
0x19: {  	s7 =	sld [smem:$0x3F86]  }
0x1a: {  	s8 =	sadd.s32 $0xFFFFE003, lr  }
0x1b: {  	s9 =	sadd.s32 $0xFFFFFEF7, lr;
	s5 =	simm.s32 $0xFFFFFFFF;
	p2 =	slt.u32 s8, $0xFFFFF086  }
0x1c: {  	p1 =	slt.u32 s9, $0xF7A;
	s5 =	simm.s32 @!p2 $0x0  }
0x1d: {  	s5 =	simm.s32 @p1 $0x1;
	p0 =	seq.s32 s7, s2  }
0x1e: {  	s7 =	smul.u32 @!p0 $0xF7A, s2;
	p2 =	seq.s32 @!p0 s5, $0x0  }
0x1f: {  	s9 =	smul.u32 $0xF7A, s1;
	s8 =	simm.s32 @!p0 $0x1BF5;
	p2 =	por !p2, p0  }
0x20: {  	[sflag:s8] =	ssyncset.s32 @!p0 $0xFFFFF086;
	s6 =	sadd.s32 @!p0 s3, s7;
	s7 =	simm.s32 @!p0 $0x108  }
0x21: {  	s3 =	sadd.s32 s3, s9;
	s6 =	sadd.s32 @!p0 $0x88, s6;
	s7 =	simm.s32 @p2 $0x1082  }
0x22: {  	[simem:s7], [sflag:s8] =	dma.local @!p0 [hbm:s6], $0xF7A  }
0x23: {  	s9 =	sor.u32 $0xD0000000, s2;
	s6 =	simm.s32 $0x108;
	_ =	swait.ge @!p0 [sflag:s8], $0x0  }
0x24: {  	s3 =	sadd.s32 $0x88, s3;
	s6 =	simm.s32 @!p1 $0x1082;
	[sflag:s4] =	ssyncset.s32 $0xFFFFF086  }
0x25: {  	[simem:s6], [sflag:s4] =	dma.local [hbm:s3], $0xF7A  }
0x26: {  	[smem:$0x3F86] =	sst s1;
	(tag) =	ssettag s2;
	_ =	strace s9  }
0x27: {  	s1 =	sld [smem:$0x3F96]  }
0x28: {  	s2 =	sld [smem:$0x3F97]  }
0x29: {  	s4 =	sld [smem:$0x3F99]  }
0x2a: {  	p0 =	seq.s32 s5, $0x0;
	s5 =	sld [smem:$0x3F9A]  }
0x2b: {  	s6 =	sld [smem:$0x3F9B]  }
0x2c: {  	s7 =	sld [smem:$0x3F9C]  }
0x2d: {  	s3 =	simm.s32 $0x108;
	s8 =	sld [smem:$0x3F9D]  }
0x2e: {  	s3 =	simm.s32 @!p0 $0x1082;
	s9 =	sld [smem:$0x3F9E]  }
0x2f: {  	lr =	sadd.s32 s0, s3;
	s0 =	sld [smem:$0x3F95]  }
0x30: {  	s3 =	sld [smem:$0x3F98]  }
0x31: {  	[smem:$0x3FA1] =	sst s10  }
0x32: {  	s10 =	sld [smem:$0x3F9F];
	_ =	sdelay $0x3  }
0x33: {  	p0 =	seq.s32 s10, $0x1;
	s10 =	sld [smem:$0x3FA1];
	_ =	sdelay $0x3  }
0x34: {  	[smem:$0x3FA1] =	sst s10  }
0x35: {  	s10 =	sld [smem:$0x3FA0];
	_ =	sdelay $0x3  }
0x36: {  	p1 =	seq.s32 s10, $0x1;
	s10 =	sld [smem:$0x3FA1];
	_ =	sdelay $0x3  }
0x37: {  	[smem:$0x3FA1] =	sst s10  }
0x38: {  	s10 =	sld [smem:$0x3FA2]  }
0x39: {  	_ = 	snop;
	(pc) =	sbr.ind lr, $3  }
0x3a: {  	_ = 	snop  }
0x3b: {  	_ = 	snop  }
0x3c: {  	p2 =	seq.s32 s10, $0x1;
	s10 =	sld [smem:$0x3FA1]  }
0x3d: {  	_ =	shalt  }
0x3e: {  	_ =	shalt  }
0x3f: {  	_ =	shalt  }
0x40: {  	_ =	shalt  }
0x41: {  	_ =	shalt  }
0x42: {  	_ =	shalt  }
0x43: {  	_ =	shalt  }
0x44: {  	_ =	shalt  }
0x45: {  	_ =	shalt  }
0x46: {  	_ =	shalt  }
0x47: {  	_ =	shalt  }
0x48: {  	_ =	shalt  }
0x49: {  	_ =	shalt  }
0x4a: {  	_ =	shalt  }
0x4b: {  	_ =	shalt  }
0x4c: {  	_ =	shalt  }
0x4d: {  	_ =	shalt  }
0x4e: {  	_ =	shalt  }
0x4f: {  	_ =	shalt  }
0x50: {  	_ =	shalt  }
0x51: {  	_ =	shalt  }
0x52: {  	_ =	shalt  }
0x53: {  	_ =	shalt  }
0x54: {  	_ =	shalt  }
0x55: {  	_ =	shalt  }
0x56: {  	_ =	shalt  }
0x57: {  	_ =	shalt  }
0x58: {  	_ =	shalt  }
0x59: {  	_ =	shalt  }
0x5a: {  	_ =	shalt  }
0x5b: {  	_ =	shalt  }
0x5c: {  	_ =	shalt  }
0x5d: {  	_ =	shalt  }
0x5e: {  	_ =	shalt  }
0x5f: {  	_ =	shalt  }
0x60: {  	_ =	shalt  }
0x61: {  	_ =	shalt  }
0x62: {  	_ =	shalt  }
0x63: {  	_ =	shalt  }
0x64: {  	_ =	shalt  }
0x65: {  	_ =	shalt  }
0x66: {  	_ =	shalt  }
0x67: {  	_ =	shalt  }
0x68: {  	_ =	shalt  }
0x69: {  	_ =	shalt  }
0x6a: {  	_ =	shalt  }
0x6b: {  	_ =	shalt  }
0x6c: {  	_ =	shalt  }
0x6d: {  	_ =	shalt  }
0x6e: {  	_ =	shalt  }
0x6f: {  	_ =	shalt  }
0x70: {  	_ =	shalt  }
0x71: {  	_ =	shalt  }
0x72: {  	_ =	shalt  }
0x73: {  	_ =	shalt  }
0x74: {  	_ =	shalt  }
0x75: {  	_ =	shalt  }
0x76: {  	_ =	shalt  }
0x77: {  	_ =	shalt  }
0x78: {  	_ =	shalt  }
0x79: {  	_ =	shalt  }
0x7a: {  	_ =	shalt  }
0x7b: {  	_ =	shalt  }
0x7c: {  	_ =	shalt  }
0x7d: {  	_ =	shalt  }
0x7e: {  	_ =	shalt  }
0x7f: {  	_ =	shalt  }
0x80: {  	_ =	shalt  }
0x81: {  	_ =	shalt  }
0x82: {  	_ =	shalt  }
0x83: {  	_ =	shalt  }
0x84: {  	_ =	shalt  }
0x85: {  	_ =	shalt  }
0x86: {  	_ =	shalt  }
0x87: {  	_ =	shalt  }
.Lfunc_end0:
.L_simem_size_0:
called_computation_lowered:
.L_overlay_start_0:
0x88: {  	s2 =	sld [smem:$0x3FD9]  }
0x89: {  	s3 =	sld [smem:$0x3FFE];
	_ =	sdelay $0x1  }
0x8a: {  	s1 =	srdreg.scid  }
0x8b: {  	s0 =	sand.u32 $0x1, s1  }
0x8c: {  	s17 =	sshll.u32 s0, $0xA;
	s2 =	sadd.s32 s3, s2  }
0x8d: {  	s2 =	sadd.s32 s2, s17  }
0x8e: {  	[smem:$0x3FAD] =	sst s2  }
0x8f: {  	_ = 	snop  }
0x90: {  	s2 =	sld [smem:$0x3FD0];
	(tm) =	ssettm $0x1  }
0x91: {  	s18 =	sld [smem:$0x3FFB];
	_ =	sdelay $0x3  }
0x92: {  	_ =	strace s18  }
0x93: {  	s3 =	sld [smem:$0x3FFC];
	_ =	sdelay $0x3  }
0x94: {  	_ =	strace s3  }
0x95: {  	s3 =	sld [smem:$0x3FFD];
	_ =	sdelay $0x3  }
0x96: {  	_ =	strace s3  }
0x97: {  	_ =	strace $0x8FFFFFFF  }
0x98: {  	s19 =	sld [smem:$0x3FDB];
	_ =	sdelay $0x1  }
0x99: {  	s4 =	simm.s32 $_scs_section_size  }
0x9a: {  	s5 =	simm.s32 $_size__tile_overlayer_lowered;
	s6 =	simm.s32 $_tile_overlayer_lowered  }
0x9b: {  	s22 =	simm.s32 $0x1BFF;
	s21 =	sshll.u32 s6, $0x1;
	s3 =	sadd.s32 s4, s19  }
0x9c: {  	s7 =	simm.s32 $0x0;
	s20 =	sshll.u32 s5, $0x1;
	s5 =	sadd.s32 s21, s3  }
0x9d: {  	[timem:s7], [sflag:s22] =	dma.local [hbm:s5], s20  }
0x9e: {  	_ =	swait.ge [sflag:s22], s20  }
0x9f: {  	s4 =	ssub.s32 $0x0, s20;
	[sflag:s22] =	ssyncset.done $0x0  }
0xa0: {  	[sflag:s22] =	ssyncadd.s32 s4;
	_ =	sdelay $0x1  }
0xa1: {  	s23 =	simm.s32 $0x1B8B  }
0xa2: {  	_ =	swait.ge [sflag:s23], $0x1  }
0xa3: {  	[sflag:s23] =	ssyncset.done $0x0  }
0xa4: {  	s25 =	simm.s32 $0x1B8E;
	s24 =	sld [smem:$0x3FFE];
	[sflag:s23] =	ssyncadd.s32 $0xFFFFFFFF  }
0xa5: {  	s26 =	simm.s32 $execute0_lowered;
	[smem:$0x3FD2] =	sst s25  }
0xa6: {  	s5 =	sshll.u32 s26, $0x1;
	_ =	strace $0x80000046;
	[dreg:$0x1] =	wrdreg $0xFFFFFFFF  }
0xa7: {  	s28 =	simm.s32 $_size_execute0_lowered;
	s3 =	sadd.s32 s3, s5;
	[dreg:$0x0] =	wrdreg $0x0  }
0xa8: {  	s5 =	sshll.u32 s28, $0x1;
	[dreg:$0x2] =	wrdreg s3  }
0xa9: {  	[dreg:$0x3] =	wrdreg s5  }
0xaa: {  	[dreg:$0x4] =	wrdreg $0xC0  }
0xab: {  	_ =	task [dreg:s7], $0x5FFFF  }
0xac: {  	[dreg:$0x1] =	wrdreg $0xFFFFFFFF  }
0xad: {  	[dreg:$0x0] =	wrdreg $0x60  }
0xae: {  	[dreg:$0x2] =	wrdreg s24  }
0xaf: {  	[dreg:$0x3] =	wrdreg s2  }
0xb0: {  	[dreg:$0x4] =	wrdreg $0x9  }
0xb1: {  	_ =	task.clear_ibuf [dreg:s7], $0x5FFFF;
	_ =	strace $0x90000046  }
0xb2: {  	s29 =	simm.s32 $0x9;
	_ =	strace $0x80000048  }
0xb3: {  	_ =	swait.ge [sflag:s29], $0x1  }
0xb4: {  	[sflag:s29] =	ssyncadd.s32 $0xFFFFFFFF  }
0xb5: {  	_ =	strace $0x90000048  }
0xb6: {  	_ =	sfence  }
0xb7: {  	s30 =	sld [smem:$0x0];
	_ =	sdelay $0x2  }
0xb8: {  	s31 =	sshll.u32 s1, $0xD;
	s1 =	sshrl.u32 s1, $0x2  }
0xb9: {  	s3 =	sand.u32 $0x4000, s31;
	s1 =	sadd.s32 s1, s30  }
0xba: {  	s0 =	sor.u32 s3, s0;
	s1 =	sshll.u32 s1, $0x11  }
0xbb: {  	s0 =	sor.u32 s1, s0  }
0xbc: {  	s0 =	sadd.s32 $0x8F2B, s0  }
0xbd: {  	[sflag:s0] =	ssyncadd.remote.s32 $0x1  }
0xbe: {  	_ =	sfence.sel $0xFFFF  }
0xbf: {  	[dreg:$0x0] =	wrdreg $0xFFFFFFFF;
	(pc) =	sbr.abs _section_cstart, $3  }
0xc0: {  	[dreg:$0x1] =	wrdreg $0xFFFFFFFF  }
0xc1: {  	_ =	task.clear_ibuf [dreg:s7], $0x2FFFF;
	_ =	strace $0x9FFFFFFF  }
0xc2: {  	(tm) =	ssettm $0x7FFFFFFF  }
0xc3: {  	_ =	shalt  }
tec
execute0_lowered:
.L_overlay_start_1:
0x0: {  	(tag) =	ssettag $0x1  }
0x1: {  	s1 =	srdreg.scid;
	s4 =	rddreg [dreg:$0x0]  }
0x2: {  	s0 =	stileid.u32;
	s7 =	rddreg [dreg:$0x1];
	s2 =	simm.s32 $0x0  }
0x3: {  	s12 =	simm.s32 $0xA000;
	s13 =	simm.s32 $0x40;
	s14 =	simm.s32 $0x9C00  }
0x4: {  	s15 =	simm.s32 $0x1;
	s5 =	sand.u32 $0x1, s1;
	s1 =	rddreg [dreg:$0x2]  }
0x5: {  	s16 =	simm.s32 $0x0;
	s29 =	sshll.u32 s0, $0x1;
	[smem:$0x7FF] =	sst s2  }
0x6: {  	s6 =	sor.u32 s5, s29;
	_ =	strace $0x80000047;
	s5 =	ssub.s32 $0x2, s5  }
0x7: {  	s3 =	smul.u32 $0x280, s6;
	s9 =	sshll.u32 s6, $0x3;
	s10 =	sshll.u32 s6, $0x8  }
0x8: {  	s30 =	sshrl.u32 s5, $0x1;
	s31 =	sshll.u32 s6, $0x7;
	s9 =	sadd.s32 s9, s4  }
0x9: {  	s10 =	sadd.s32 s10, s4;
	s11 =	ssub.s32 s5, s30;
	s7 =	sadd.s32 s7, s31  }
0xa: {  	s8 =	sadd.s32 s3, s4;
	s3 =	sadd.s32 $0x3E00, s4;
	s5 =	sadd.s32 $0xE000, s10  }
0xb: {  	v1 =	vlaneseq.u32;
	s6 =	sadd.s32 $0xDE00, s9;
	s9 =	simm.s32 $0x2;
	s10 =	simm.s32 $0x1400  }
0xc: {  	v0 =	vimm.s32 $0x0;
	v1 =	vmul.u32 $0x800, v1;
	s4 =	sadd.s32 $0x8E00, s8;
	s8 =	smax.u32 s11, $0x1;
	s11 =	simm.s32 $0x9400  }
.LBB2_1:
0xd: {  	[tilespmem:s2], [sflag:$0x2] =	stream.linear.gather [hbm4b:s4+s2], $0x1400, $0x38;
	[tilespmem:$0xA040] =	vst v63  }
0xe: {  	_ =	swait.ge [sflag:s9], $0x1400  }
0xf: {  	[sflag:s9] =	ssyncset.done $0x0  }
0x10: {  	s17 =	simm.s32 $0x40;
	s18 =	simm.s32 $0x0;
	[sflag:s9] =	ssyncadd.s32 $0xFFFFEC00  }
.LBB2_2:
0x11: {  	p0 =	sne.s32 s17, $0x1FFC0;
	[tilespmem:s18+$0x1400] =	vst v0;
	s18 =	smov.u32 s17;
	s17 =	sadd.s32 $0x40, s17  }
.Ltmp0:
0x12: {  	(pc) =	sbr.rel @p0 .LBB2_2-.Ltmp0, $2  }
0x13: {  	_ =	sdelay $0x2  }
0x14: {  	s18 =	sshra.s32 s18, $0x2  }
0x15: {  	[tilespmem:s18+$0x1400] =	vst v0;
	s18 =	simm.s32 $0x0;
	s17 =	simm.s32 $0x40  }
.LBB2_4:
0x16: {  	p0 =	sne.s32 s17, $0x4FC0;
	v2 =	vld [tilespmem:s18+$0x0];
	_ =	sdelay $0x4  }
0x17: {  	v2 =	vadd.s32 v1, v2;
	_ =	sdelay $0x4  }
0x18: {  	v3 =	vld.idx.msk [tilespmem:v2+s10+$0x0], $0xffff;
	_ =	sdelay $0x2  }
.Ltmp1:
0x19: {  	(pc) =	sbr.rel @p0 .LBB2_4-.Ltmp1, $3  }
0x1a: {  	_ =	sdelay $0x1  }
0x1b: {  	v3 =	vadd.s32 $0x1, v3  }
0x1c: {  	s18 =	sshra.s32 s17, $0x2;
	s17 =	sadd.s32 $0x40, s17;
	[tilespmem:v2+s10+$0x0] =	vst.idx.msk $0xffff, v3  }
0x1d: {  	v2 =	vld [tilespmem:s18+$0x0];
	_ =	sdelay $0x4  }
0x1e: {  	v2 =	vadd.s32 v1, v2;
	_ =	sdelay $0x4  }
0x1f: {  	v3 =	vld.idx.msk [tilespmem:v2+s10+$0x0], $0xffff;
	_ =	sdelay $0x4  }
0x20: {  	v3 =	vadd.s32 $0x1, v3  }
0x21: {  	s17 =	simm.s32 $0x0;
	[tilespmem:v2+s10+$0x0] =	vst.idx.msk $0xffff, v3  }
0x22: {  	v2 =	vld [tilespmem:s17+$0x1400]  }
0x23: {  	v3 =	vld [tilespmem:s17+$0x1C00]  }
0x24: {  	v4 =	vld [tilespmem:s17+$0x2400]  }
0x25: {  	v5 =	vld [tilespmem:s17+$0x2C00]  }
0x26: {  	v6 =	vld [tilespmem:s17+$0x3400]  }
0x27: {  	v7 =	vld [tilespmem:s17+$0x3C00]  }
0x28: {  	v2 =	vadd.s32 v2, v3;
	v3 =	vld [tilespmem:s17+$0x4400]  }
0x29: {  	v2 =	vadd.s32 v4, v2;
	v4 =	vld [tilespmem:s17+$0x4C00]  }
0x2a: {  	v2 =	vadd.s32 v5, v2;
	v5 =	vld [tilespmem:s17+$0x5400]  }
0x2b: {  	v2 =	vadd.s32 v6, v2;
	v6 =	vld [tilespmem:s17+$0x5C00]  }
0x2c: {  	v2 =	vadd.s32 v7, v2;
	v7 =	vld [tilespmem:s17+$0x6400]  }
0x2d: {  	v8 =	vld [tilespmem:s17+$0x6C00];
	v2 =	vadd.s32 v3, v2  }
0x2e: {  	v3 =	vld [tilespmem:s17+$0x7400];
	v2 =	vadd.s32 v4, v2  }
0x2f: {  	v4 =	vld [tilespmem:s17+$0x7C00];
	v2 =	vadd.s32 v5, v2  }
0x30: {  	v5 =	vld [tilespmem:s17+$0x8400];
	v2 =	vadd.s32 v6, v2  }
0x31: {  	s18 =	simm.s32 $0x10;
	v6 =	vld [tilespmem:s17+$0x8C00];
	v7 =	vadd.s32 v7, v2  }
0x32: {  	s19 =	simm.s32 $0x80;
	v2 =	vld [tilespmem:s18+$0x1400];
	v7 =	vadd.s32 v8, v7  }
.LBB2_6:
0x33: {  	p0 =	sne.s32 s19, $0x1FC0;
	v8 =	vld [tilespmem:s18+$0x1C00];
	v3 =	vadd.s32 v3, v7  }
0x34: {  	v7 =	vld [tilespmem:s18+$0x2400];
	v3 =	vadd.s32 v4, v3  }
0x35: {  	v4 =	vld [tilespmem:s18+$0x2C00];
	v3 =	vadd.s32 v5, v3  }
0x36: {  	v5 =	vld [tilespmem:s18+$0x3400];
	v3 =	vadd.s32 v6, v3  }
0x37: {  	v6 =	vld [tilespmem:s18+$0x3C00];
	[tilespmem:s17+$0x9400] =	vst v3;
	s17 =	smov.u32 s18  }
0x38: {  	v2 =	vadd.s32 v2, v8;
	v3 =	vld [tilespmem:s17+$0x4400]  }
0x39: {  	v2 =	vadd.s32 v7, v2;
	v7 =	vld [tilespmem:s17+$0x4C00]  }
0x3a: {  	v2 =	vadd.s32 v4, v2;
	v4 =	vld [tilespmem:s17+$0x5400]  }
0x3b: {  	v2 =	vadd.s32 v5, v2;
	v5 =	vld [tilespmem:s17+$0x5C00]  }
0x3c: {  	v2 =	vadd.s32 v6, v2;
	v6 =	vld [tilespmem:s17+$0x6400]  }
0x3d: {  	v2 =	vadd.s32 v3, v2;
	v8 =	vld [tilespmem:s17+$0x6C00]  }
.Ltmp2:
0x3e: {  	v2 =	vadd.s32 v7, v2;
	v3 =	vld [tilespmem:s17+$0x7400];
	(pc) =	sbr.rel @p0 .LBB2_6-.Ltmp2, $4  }
0x3f: {  	v2 =	vadd.s32 v4, v2;
	v4 =	vld [tilespmem:s17+$0x7C00]  }
0x40: {  	v2 =	vadd.s32 v5, v2;
	v5 =	vld [tilespmem:s17+$0x8400]  }
0x41: {  	s18 =	sshra.s32 s19, $0x2;
	v7 =	vadd.s32 v6, v2;
	v6 =	vld [tilespmem:s17+$0x8C00]  }
0x42: {  	s19 =	sadd.s32 $0x40, s19;
	v2 =	vld [tilespmem:s18+$0x1400];
	v7 =	vadd.s32 v8, v7  }
0x43: {  	v8 =	vld [tilespmem:s18+$0x1C00];
	v3 =	vadd.s32 v3, v7  }
0x44: {  	v52 =	vld [tilespmem:s18+$0x2400];
	v3 =	vadd.s32 v4, v3  }
0x45: {  	v53 =	vld [tilespmem:s18+$0x2C00];
	v3 =	vadd.s32 v5, v3  }
0x46: {  	v54 =	vld [tilespmem:s18+$0x3400];
	v3 =	vadd.s32 v6, v3  }
0x47: {  	v55 =	vld [tilespmem:s18+$0x3C00];
	[tilespmem:s17+$0x9400] =	vst v3  }
0x48: {  	v2 =	vadd.s32 v2, v8;
	v3 =	vld [tilespmem:s18+$0x4400]  }
0x49: {  	v56 =	vld [tilespmem:s18+$0x4C00];
	v2 =	vadd.s32 v52, v2  }
0x4a: {  	v57 =	vld [tilespmem:s18+$0x5400];
	v2 =	vadd.s32 v53, v2  }
0x4b: {  	v58 =	vld [tilespmem:s18+$0x5C00];
	v2 =	vadd.s32 v54, v2  }
0x4c: {  	v59 =	vld [tilespmem:s18+$0x6400];
	v2 =	vadd.s32 v55, v2  }
0x4d: {  	v2 =	vadd.s32 v3, v2;
	v3 =	vld [tilespmem:s18+$0x6C00]  }
0x4e: {  	v60 =	vld [tilespmem:s18+$0x7400];
	v2 =	vadd.s32 v56, v2  }
0x4f: {  	v61 =	vld [tilespmem:s18+$0x7C00];
	v2 =	vadd.s32 v57, v2  }
0x50: {  	v62 =	vld [tilespmem:s18+$0x8400];
	v2 =	vadd.s32 v58, v2  }
0x51: {  	v63 =	vld [tilespmem:s18+$0x8C00];
	v2 =	vadd.s32 v59, v2  }
0x52: {  	v2 =	vadd.s32 v3, v2  }
0x53: {  	v2 =	vadd.s32 v60, v2  }
0x54: {  	v2 =	vadd.s32 v61, v2  }
0x55: {  	v2 =	vadd.s32 v62, v2  }
0x56: {  	v2 =	vadd.s32 v63, v2  }
0x57: {  	[tilespmem:s18+$0x9400] =	vst v2  }
0x58: {  	[hbm4b:s5+s2] =	stream.linear.scatter [tilespmem:s11], [sflag:$0x2], $0x800, $0x38;
	[tilespmem:$0xA040] =	vst v63  }
0x59: {  	_ =	swait.ge [sflag:s9], $0x800  }
0x5a: {  	[sflag:s9] =	ssyncset.done $0x0  }
0x5b: {  	[sflag:s9] =	ssyncadd.s32 $0xFFFFF800  }
0x5c: {  	[tilespmem:s12], [sflag:$0x2] =	stream.linear.gather [hbm4b:s6+s2], $0x40, $0x38;
	[tilespmem:$0xA040] =	vst v63  }
0x5d: {  	_ =	swait.ge [sflag:s9], $0x40  }
0x5e: {  	[sflag:s9] =	ssyncset.done $0x0  }
0x5f: {  	[sflag:s9] =	ssyncadd.s32 $0xFFFFFFC0  }
0x60: {  	[tilespmem:s14], [sflag:$0x1] =	stream.indirect.gather [hbm4b:s3+s13], $0x10, s12, s13, $0xb8;
	[tilespmem:$0xA040] =	vst v63  }
0x61: {  	s16 =	sadd.s32 $0x1, s16;
	_ =	swait.ge [sflag:s15], $0x400  }
0x62: {  	p0 =	sne.s32 s16, s8;
	[sflag:s15] =	ssyncset.done $0x0  }
.Ltmp3:
0x63: {  	[sflag:s15] =	ssyncadd.s32 $0xFFFFFC00;
	(pc) =	sbr.rel @p0 .LBB2_1-.Ltmp3, $4  }
0x64: {  	[hbm4b:s7+s2] =	stream.linear.scatter [tilespmem:s14], [sflag:$0x2], $0x400, $0x38;
	[tilespmem:$0xA040] =	vst v63  }
0x65: {  	_ =	swait.ge [sflag:s9], $0x400  }
0x66: {  	[sflag:s9] =	ssyncset.done $0x0  }
0x67: {  	[sflag:s9] =	ssyncadd.s32 $0xFFFFFC00  }
0x68: {  	_ =	sfence.sel $0x180000  }
0x69: {  	[bflag:$0x0] =	sbarrier.arrive $0xFFFF  }
0x6a: {  	p0 =	sne.s32 s0, $0x0;
	_ =	strace $0x90000047  }
0x6b: {  	s0 =	sadd.s32 @!p0 $0x100000, s1;
	[bflag:$0x2] =	sbarrier.arrive $0xFFFF  }
0x6c: {  	[sflag:s0] =	ssyncadd.tile.s32 @!p0 $0x1;
	_ =	shalt  }
.Lfunc_end2:
_tile_overlayer_lowered:
.L_overlay_start_2:
0x6d: {  	(tag) =	ssettag $0x2  }
0x6e: {  	s0 =	rddreg [dreg:$0x0];
	s2 =	stileid.u32  }
0x6f: {  	s1 =	rddreg [dreg:$0x1];
	p0 =	sne.s32 s2, $0x0  }
0x70: {  	s3 =	rddreg [dreg:$0x2];
	[bflag:$0x3] =	sbarrier.arrive $0xFFFF;
	s2 =	simm.s32 @!p0 $0x1C02  }
0x71: {  	[timem:s3], [sflag:s2] =	dma.local @!p0 [hbm:s0], s1  }
0x72: {  	s0 =	simm.s32 @!p0 $0x2  }
0x73: {  	_ =	swait.ge @!p0 [sflag:s0], s1  }
0x74: {  	s1 =	ssub.s32 @!p0 $0x0, s1;
	[sflag:s0] =	ssyncset.done @!p0 $0x0  }
0x75: {  	[sflag:s0] =	ssyncadd.s32 @!p0 s1  }
0x76: {  	[bflag:$0x3] =	sbarrier.arrive $0xFFFF  }
0x77: {  	_ =	shalt  }

</sc_bundles>
